<compile_context>
chip_gen: v7x
topology: tpu7x:2x2x1
jax: 0.10.2.dev20260603
libtpu: 0.0.44.dev20260713+nightly
codegen_flags: <defaults>
</compile_context>

<pallas_src>
import functools

import jax
import jax.numpy as jnp
from jax import lax
from jax.experimental import pallas as pl
from jax.experimental.pallas import tpu as pltpu
from jax.experimental.pallas import tpu_sc as plsc

N = 50000
E = 800000
F = 64
FH = 32
OUT = 6

NP = 50176
SL = NP // 16
CH = 128
NCHUNK = 6272
EP = NCHUNK * CH
WCHUNK = NCHUNK // 32
TCHUNK = NCHUNK // 16
BCH = 28
RBT = 1792
NBLK = NP // RBT

_MESH = plsc.VectorSubcoreMesh(core_axis_name="c", subcore_axis_name="s")
_CP = pltpu.CompilerParams(
    needs_layout_passes=False, use_tc_tiling_on_sc=False)


def _sc_degree(dstp):

    @functools.partial(
        pl.kernel,
        out_type=jax.ShapeDtypeStruct((32, NP), jnp.float32),
        mesh=_MESH,
        compiler_params=_CP,
        scratch_types=[
            pltpu.VMEM((NP,), jnp.float32),
            pltpu.VMEM((WCHUNK * CH,), jnp.int32),
        ],
    )
    def k(dst_hbm, deg_hbm, hist, ibuf):
        cid = lax.axis_index("c")
        sid = lax.axis_index("s")
        wid = cid * 16 + sid
        zeros = jnp.zeros((16,), jnp.float32)
        ones = jnp.ones((16,), jnp.float32)

        @pl.loop(0, NP, step=16)
        def _(i):
            hist[pl.ds(i, 16)] = zeros

        pltpu.sync_copy(dst_hbm.at[pl.ds(wid * WCHUNK * CH, WCHUNK * CH)], ibuf)

        @pl.loop(0, WCHUNK * CH, step=16)
        def _(i):
            plsc.addupdate_scatter(hist, [ibuf[pl.ds(i, 16)]], ones)

        pltpu.sync_copy(hist, deg_hbm.at[wid])

    return k(dstp)


def _sc_aggregate(gl, gr, srcp, dstp, zslab):

    @functools.partial(
        pl.kernel,
        out_type=jax.ShapeDtypeStruct((2, NP, FH), jnp.float32),
        mesh=_MESH,
        compiler_params=_CP,
        scratch_types=[
            pltpu.VMEM((BCH, CH), jnp.int32),
            pltpu.VMEM((BCH, CH), jnp.int32),
            pltpu.VMEM((4, CH, FH), jnp.float32),
            pltpu.VMEM((WCHUNK // 2, FH), jnp.float32),
            pltpu.VMEM_SHARED((NP, FH), jnp.float32),
            pltpu.SemaphoreType.DMA,
            pltpu.SemaphoreType.DMA,
        ],
    )
    def k(gl_hbm, gr_hbm, src_hbm, dst_hbm, z_hbm, agg_hbm,
          sbuf, dbuf, rows, wb, acc, gsem, ssem):
        cid = lax.axis_index("c")
        sid = lax.axis_index("s")
        row0 = sid * SL

        pltpu.sync_copy(z_hbm, acc.at[pl.ds(row0, SL)])
        plsc.subcore_barrier()

        def edge_pass(g_hbm):
            @pl.loop(0, TCHUNK // BCH)
            def _(b):
                ch0 = sid * TCHUNK + b * BCH
                pltpu.sync_copy(src_hbm.at[pl.ds(ch0, BCH)], sbuf)
                pltpu.sync_copy(dst_hbm.at[pl.ds(ch0, BCH)], dbuf)

                @pl.loop(0, BCH, step=4)
                def _(j):
                    gds = [
                        pltpu.async_copy(
                            g_hbm.at[sbuf.at[j + q]], rows.at[q], gsem)
                        for q in range(4)
                    ]
                    sds = []
                    for q in range(4):
                        gds[q].wait()
                        sds.append(pltpu.async_copy(
                            rows.at[q], acc.at[dbuf.at[j + q]], ssem,
                            add=True))
                    for d in sds:
                        d.wait()

        @pl.when(cid == 0)
        def _():
            edge_pass(gl_hbm)

        @pl.when(cid == 1)
        def _():
            edge_pass(gr_hbm)

        plsc.subcore_barrier()

        @pl.loop(0, 32)
        def _(kk):
            half = WCHUNK // 2
            pltpu.sync_copy(acc.at[pl.ds(row0 + kk * half, half)], wb)
            pltpu.sync_copy(wb, agg_hbm.at[cid, pl.ds(row0 + kk * half, half)])

    return k(gl, gr, srcp.reshape(NCHUNK, CH), dstp.reshape(NCHUNK, CH), zslab)


def _sc_t(srcp, dstp, dinv):

    @functools.partial(
        pl.kernel,
        out_type=jax.ShapeDtypeStruct((32, NP), jnp.float32),
        mesh=_MESH,
        compiler_params=_CP,
        scratch_types=[
            pltpu.VMEM((NP,), jnp.float32),
            pltpu.VMEM((NP,), jnp.float32),
            pltpu.VMEM((BCH * CH,), jnp.int32),
            pltpu.VMEM((BCH * CH,), jnp.int32),
        ],
    )
    def k(src_hbm, dst_hbm, dinv_hbm, t_hbm, dloc, th, sbuf, dbuf):
        cid = lax.axis_index("c")
        sid = lax.axis_index("s")
        wid = cid * 16 + sid
        zeros = jnp.zeros((16,), jnp.float32)

        pltpu.sync_copy(dinv_hbm, dloc)

        @pl.loop(0, NP, step=16)
        def _(i):
            th[pl.ds(i, 16)] = zeros

        @pl.loop(0, WCHUNK // BCH)
        def _(b):
            e0 = (wid * WCHUNK + b * BCH) * CH
            pltpu.sync_copy(src_hbm.at[pl.ds(e0, BCH * CH)], sbuf)
            pltpu.sync_copy(dst_hbm.at[pl.ds(e0, BCH * CH)], dbuf)

            @pl.loop(0, BCH * CH, step=16)
            def _(i):
                dvals = plsc.load_gather(dloc, [dbuf[pl.ds(i, 16)]])
                plsc.addupdate_scatter(th, [sbuf[pl.ds(i, 16)]], dvals)

        pltpu.sync_copy(th, t_hbm.at[wid])

    return k(srcp, dstp, dinv)


def _tc_matmul(xp, W1):

    def body(x_ref, w_ref, h_ref):
        h_ref[...] = lax.dot_general(
            x_ref[...], w_ref[...], (((1,), (1,)), ((), ())),
            preferred_element_type=jnp.float32)

    return pl.pallas_call(
        body,
        grid=(NBLK,),
        in_specs=[
            pl.BlockSpec((RBT, F), lambda i: (i, 0)),
            pl.BlockSpec((F, F), lambda i: (0, 0)),
        ],
        out_specs=pl.BlockSpec((RBT, F), lambda i: (i, 0)),
        out_shape=jax.ShapeDtypeStruct((NP, F), jnp.float32),
    )(xp, W1)


def _tc_scale(deg32, h):

    def body(deg_ref, h_ref, dinv_ref, dinv1_ref, gl_ref, gr_ref):
        i = pl.program_id(0)
        deg = jnp.sum(deg_ref[...], axis=0) + 1.0
        dv = lax.rsqrt(deg)
        dvc = dv[:, None]
        dinv_ref[...] = dvc
        dinv1_ref[pl.ds(i * RBT, RBT)] = dv
        rowid = lax.broadcasted_iota(jnp.int32, (RBT, 1), 0) + i * RBT
        g = jnp.where(rowid < N, h_ref[...] * dvc, 0.0)
        gl_ref[...] = g[:, :FH]
        gr_ref[...] = g[:, FH:]

    return pl.pallas_call(
        body,
        grid=(NBLK,),
        in_specs=[
            pl.BlockSpec((32, RBT), lambda i: (0, i)),
            pl.BlockSpec((RBT, F), lambda i: (i, 0)),
        ],
        out_specs=[
            pl.BlockSpec((RBT, 1), lambda i: (i, 0)),
            pl.BlockSpec((NP,), lambda i: (0,)),
            pl.BlockSpec((RBT, FH), lambda i: (i, 0)),
            pl.BlockSpec((RBT, FH), lambda i: (i, 0)),
        ],
        out_shape=[
            jax.ShapeDtypeStruct((NP, 1), jnp.float32),
            jax.ShapeDtypeStruct((NP,), jnp.float32),
            jax.ShapeDtypeStruct((NP, FH), jnp.float32),
            jax.ShapeDtypeStruct((NP, FH), jnp.float32),
        ],
    )(deg32, h)


def _tc_final(agg2, gl, gr, dinv, t32, b1, W2T, b2):

    def body(agg_ref, gl_ref, gr_ref, dinv_ref, t_ref, b1_ref,
             w2t_ref, b2_ref, res_ref, acc):
        i = pl.program_id(0)
        dvc = dinv_ref[...]
        pre_l = (agg_ref[0] + gl_ref[...]) * dvc
        pre_r = (agg_ref[1] + gr_ref[...]) * dvc
        pre = jnp.concatenate([pre_l, pre_r], axis=1) + b1_ref[...]
        r1 = jnp.maximum(pre, 0.0)
        tsum = jnp.sum(t_ref[...], axis=0)[:, None]
        w = dvc * (tsum + dvc)
        rowid = lax.broadcasted_iota(jnp.int32, (RBT, 1), 0) + i * RBT
        w = jnp.where(rowid < N, w, 0.0)
        part = jnp.sum(r1 * w, axis=0, keepdims=True)

        @pl.when(i == 0)
        def _():
            acc[...] = part

        @pl.when(i > 0)
        def _():
            acc[...] += part

        @pl.when(i == NBLK - 1)
        def _():
            r = acc[...] * (1.0 / N)
            res_ref[...] = jnp.dot(
                r, w2t_ref[...], preferred_element_type=jnp.float32) + b2_ref[...]

    return pl.pallas_call(
        body,
        grid=(NBLK,),
        in_specs=[
            pl.BlockSpec((2, RBT, FH), lambda i: (0, i, 0)),
            pl.BlockSpec((RBT, FH), lambda i: (i, 0)),
            pl.BlockSpec((RBT, FH), lambda i: (i, 0)),
            pl.BlockSpec((RBT, 1), lambda i: (i, 0)),
            pl.BlockSpec((32, RBT), lambda i: (0, i)),
            pl.BlockSpec((1, F), lambda i: (0, 0)),
            pl.BlockSpec((F, OUT), lambda i: (0, 0)),
            pl.BlockSpec((1, OUT), lambda i: (0, 0)),
        ],
        out_specs=pl.BlockSpec((1, OUT), lambda i: (0, 0)),
        out_shape=jax.ShapeDtypeStruct((1, OUT), jnp.float32),
        scratch_shapes=[pltpu.VMEM((1, F), jnp.float32)],
    )(agg2, gl, gr, dinv, t32, b1, W2T, b2)


def kernel(x, edge_index, W1, b1, W2, b2):
    xp = x.astype(jnp.float32)

    src = edge_index[0].astype(jnp.int32)
    dst = edge_index[1].astype(jnp.int32)
    padlen = EP - E
    pad_vals = N + (jnp.arange(padlen, dtype=jnp.int32) % (NP - N))
    srcp = jnp.concatenate([src, pad_vals])
    dstp = jnp.concatenate([dst, pad_vals])

    zslab = jnp.zeros((SL, FH), jnp.float32)

    deg32 = _sc_degree(dstp)
    h = _tc_matmul(xp, W1.astype(jnp.float32))
    dinv, dinv1, gl, gr = _tc_scale(deg32, h)
    agg2 = _sc_aggregate(gl, gr, srcp, dstp, zslab)
    t32 = _sc_t(srcp, dstp, dinv1)
    res = _tc_final(
        agg2, gl, gr, dinv, t32,
        b1.astype(jnp.float32).reshape(1, F),
        W2.astype(jnp.float32).T,
        b2.astype(jnp.float32).reshape(1, OUT),
    )
    return res.reshape(OUT)

# --- scband reference (transcript-rebuilt; emitter-appended) ---
"""Pipeline reference for scband-gcn-9131100472028 (READ-ONLY COPY).

The authoritative reference and input builder live on the scoring server;
editing this copy changes nothing except your own understanding.
"""

import jax, jax.numpy as jnp
import numpy as np

N_NODES = 50000
N_EDGES = 800000
IN_DIM = 64
HID_DIM = 64
OUT_DIM = 6


def setup_inputs(seed: int = 0) -> dict:
    key = jax.random.key(seed)
    k1, k2, k3, k4 = jax.random.split(key, 4)
    x = jax.random.normal(k1, (N_NODES, IN_DIM), dtype=jnp.float32)
    edge_index = jax.random.randint(k2, (2, N_EDGES), 0, N_NODES, dtype=jnp.int32)
    W1 = jax.random.normal(k3, (HID_DIM, IN_DIM), dtype=jnp.float32) * (1.0 / np.sqrt(IN_DIM))
    b1 = jnp.zeros((HID_DIM,), dtype=jnp.float32)
    W2 = jax.random.normal(k4, (OUT_DIM, HID_DIM), dtype=jnp.float32) * (1.0 / np.sqrt(HID_DIM))
    b2 = jnp.zeros((OUT_DIM,), dtype=jnp.float32)
    return {"x": x, "edge_index": edge_index, "W1": W1, "b1": b1, "W2": W2, "b2": b2}


def gcn_conv(x, edge_index, W, b):
    # PyG GCNConv: add self-loops, symmetric D^{-1/2}(A+I)D^{-1/2} normalization,
    # linear transform first, then scatter-add aggregation, then bias.
    num_nodes = x.shape[0]
    src = edge_index[0]
    dst = edge_index[1]
    loop = jnp.arange(num_nodes, dtype=src.dtype)
    src = jnp.concatenate([src, loop])
    dst = jnp.concatenate([dst, loop])
    h = x @ W.T
    deg = jnp.zeros((num_nodes,), dtype=jnp.float32).at[dst].add(1.0)
    deg_inv_sqrt = jnp.where(deg > 0, 1.0 / jnp.sqrt(deg), 0.0)
    norm = deg_inv_sqrt[src] * deg_inv_sqrt[dst]
    msg = h[src] * norm[:, None]
    out = jnp.zeros((num_nodes, h.shape[1]), dtype=h.dtype).at[dst].add(msg)
    return out + b


def reference(x, edge_index, W1, b1, W2, b2):
    h = gcn_conv(x, edge_index, W1, b1)
    h = jax.nn.relu(h)
    h = gcn_conv(h, edge_index, W2, b2)
    return jnp.mean(h, axis=0)

if __name__ == "__main__":
    import jax
    _d = setup_inputs()
    print(jax.jit(kernel)(*tuple(_d.values())))

</pallas_src>

<mosaic_0001>
#map = affine_map<(d0, d1) -> (0)>
#map1 = affine_map<(d0, d1) -> (0, 0)>
module attributes {stable_mosaic.version = 14 : i64} {
  func.func @k(%arg0: i32, %arg1: i32, %arg2: memref<802816xi32, #tpu.memory_space<hbm>>, %arg3: memref<32x50176xf32, #tpu.memory_space<hbm>>, %arg4: memref<50176xf32, #tpu.memory_space<vmem>>, %arg5: memref<25088xi32, #tpu.memory_space<vmem>>) attributes {dimension_semantics = [#tpu.dimension_semantics<core_parallel>, #tpu.dimension_semantics<subcore_parallel>], iteration_bounds = array<i64: 2, 16>, scalar_prefetch = 0 : i64, scratch_operands = 2 : i64, tpu.core_type = #tpu.core_type<sc_vector_subcore>, window_params = [{transform_indices = #map}, {transform_indices = #map1}]} {
    %mul3A = arith.constant 16 : i32
    %mul3A_0 = arith.muli %arg0, %mul3A : i32
    %add3A = arith.addi %mul3A_0, %arg1 : i32
    %broadcast_in_dim3A = arith.constant 0.000000e+00 : f32
    %broadcast_in_dim3A_1 = vector.broadcast %broadcast_in_dim3A : f32 to vector<16xf32>
    %broadcast_in_dim3A_2 = arith.constant 1.000000e+00 : f32
    %broadcast_in_dim3A_3 = vector.broadcast %broadcast_in_dim3A_2 : f32 to vector<16xf32>
    %scan3A = arith.constant 0 : i32
    %scan3A_4 = arith.constant 3136 : i32
    %scan3A_5 = arith.addi %scan3A, %scan3A_4 : i32
    %scan3A_6 = arith.constant 1 : i32
    scf.for %scan3A_17 = %scan3A to %scan3A_5 step %scan3A_6  : i32 {
      %mul3A_18 = arith.constant 16 : i32
      %mul3A_19 = arith.muli %scan3A_17, %mul3A_18 : i32
      %add3A_20 = arith.constant 0 : i32
      %add3A_21 = arith.addi %add3A_20, %mul3A_19 : i32
      %swap3A = arith.index_cast %add3A_21 : i32 to index
      %swap3A_22 = tpu.vector_load %arg4[%swap3A] {strides = array<i32>} : memref<50176xf32, #tpu.memory_space<vmem>>, vector<16xf32>,
      tpu.vector_store %arg4[%swap3A], %broadcast_in_dim3A_1 {strides = array<i32>} : memref<50176xf32, #tpu.memory_space<vmem>>, vector<16xf32>,
    }
    %scan3A_7 = arith.constant 3136 : i32
    %mul3A_8 = arith.constant 196 : i32
    %mul3A_9 = arith.muli %add3A, %mul3A_8 : i32
    %mul3A_10 = arith.constant 128 : i32
    %mul3A_11 = arith.muli %mul3A_9, %mul3A_10 : i32
    "tpu.region"() ({
      %run_scoped3A = tpu.sem_alloc : memref<!tpu.dma_semaphore, #tpu.memory_space<semaphore_mem>>
      %dma_start3A = tpu.memref_slice %arg2[%mul3A_11] : memref<802816xi32, #tpu.memory_space<hbm>> -> memref<25088xi32, #tpu.memory_space<hbm>>
      %dma_start3A_17 = tpu.memref_slice %arg2[%mul3A_11] : memref<802816xi32, #tpu.memory_space<hbm>> -> memref<25088xi32, #tpu.memory_space<hbm>>
      tpu.enqueue_dma source(%dma_start3A_17 : memref<25088xi32, #tpu.memory_space<hbm>>) target(%arg5 : memref<25088xi32, #tpu.memory_space<vmem>>) target_semaphore(%run_scoped3A : memref<!tpu.dma_semaphore, #tpu.memory_space<semaphore_mem>>)
      %dma_wait3A = tpu.memref_slice %arg2[%mul3A_11] : memref<802816xi32, #tpu.memory_space<hbm>> -> memref<25088xi32, #tpu.memory_space<hbm>>
      %dma_wait3A_18 = tpu.memref_slice %arg2[%mul3A_11] : memref<802816xi32, #tpu.memory_space<hbm>> -> memref<25088xi32, #tpu.memory_space<hbm>>
      tpu.wait_dma2 semaphore(%run_scoped3A : memref<!tpu.dma_semaphore, #tpu.memory_space<semaphore_mem>>) src(%dma_wait3A_18 : memref<25088xi32, #tpu.memory_space<hbm>>) dst(%arg5 : memref<25088xi32, #tpu.memory_space<vmem>>)
      tpu.yield
    }) : () -> ()
    %scan3A_12 = arith.constant 0 : i32
    %scan3A_13 = arith.constant 1568 : i32
    %scan3A_14 = arith.addi %scan3A_12, %scan3A_13 : i32
    %scan3A_15 = arith.constant 1 : i32
    scf.for %scan3A_17 = %scan3A_12 to %scan3A_14 step %scan3A_15  : i32 {
      %mul3A_18 = arith.constant 16 : i32
      %mul3A_19 = arith.muli %scan3A_17, %mul3A_18 : i32
      %add3A_20 = arith.constant 0 : i32
      %add3A_21 = arith.addi %add3A_20, %mul3A_19 : i32
      %get3A = arith.index_cast %add3A_21 : i32 to index
      %get3A_22 = tpu.vector_load %arg5[%get3A] {strides = array<i32>} : memref<25088xi32, #tpu.memory_space<vmem>>, vector<16xi32>,
      tpu.vector_store_idx %arg4[%get3A_22], %broadcast_in_dim3A_3 {add = true} : memref<50176xf32, #tpu.memory_space<vmem>>[vector<16xi32>], vector<16xf32>,
    }
    %scan3A_16 = arith.constant 1568 : i32
    "tpu.region"() ({
      %run_scoped3A = tpu.sem_alloc : memref<!tpu.dma_semaphore, #tpu.memory_space<semaphore_mem>>
      %dma_start3A = arith.constant 0 : i32
      %dma_start3A_17 = tpu.memref_slice %arg3[%add3A, %dma_start3A] : memref<32x50176xf32, #tpu.memory_space<hbm>> -> memref<1x50176xf32, #tpu.memory_space<hbm>>
      %dma_start3A_18 = tpu.memref_squeeze %dma_start3A_17 : memref<1x50176xf32, #tpu.memory_space<hbm>> -> memref<50176xf32, #tpu.memory_space<hbm>>
      %dma_start3A_19 = arith.constant 0 : i32
      %dma_start3A_20 = tpu.memref_slice %arg3[%add3A, %dma_start3A_19] : memref<32x50176xf32, #tpu.memory_space<hbm>> -> memref<1x50176xf32, #tpu.memory_space<hbm>>
      %dma_start3A_21 = tpu.memref_squeeze %dma_start3A_20 : memref<1x50176xf32, #tpu.memory_space<hbm>> -> memref<50176xf32, #tpu.memory_space<hbm>>
      tpu.enqueue_dma source(%arg4 : memref<50176xf32, #tpu.memory_space<vmem>>) target(%dma_start3A_21 : memref<50176xf32, #tpu.memory_space<hbm>>) target_semaphore(%run_scoped3A : memref<!tpu.dma_semaphore, #tpu.memory_space<semaphore_mem>>)
      %dma_wait3A = arith.constant 0 : i32
      %dma_wait3A_22 = tpu.memref_slice %arg3[%add3A, %dma_wait3A] : memref<32x50176xf32, #tpu.memory_space<hbm>> -> memref<1x50176xf32, #tpu.memory_space<hbm>>
      %dma_wait3A_23 = tpu.memref_squeeze %dma_wait3A_22 : memref<1x50176xf32, #tpu.memory_space<hbm>> -> memref<50176xf32, #tpu.memory_space<hbm>>
      %dma_wait3A_24 = arith.constant 0 : i32
      %dma_wait3A_25 = tpu.memref_slice %arg3[%add3A, %dma_wait3A_24] : memref<32x50176xf32, #tpu.memory_space<hbm>> -> memref<1x50176xf32, #tpu.memory_space<hbm>>
      %dma_wait3A_26 = tpu.memref_squeeze %dma_wait3A_25 : memref<1x50176xf32, #tpu.memory_space<hbm>> -> memref<50176xf32, #tpu.memory_space<hbm>>
      tpu.wait_dma2 semaphore(%run_scoped3A : memref<!tpu.dma_semaphore, #tpu.memory_space<semaphore_mem>>) src(%arg4 : memref<50176xf32, #tpu.memory_space<vmem>>) dst(%dma_wait3A_26 : memref<50176xf32, #tpu.memory_space<hbm>>)
      tpu.yield
    }) : () -> ()
    return
  }
}

#map = affine_map<(d0, d1) -> (0, 0)>
#map1 = affine_map<(d0, d1) -> (0, 0, 0)>
module attributes {stable_mosaic.version = 14 : i64} {
  func.func @k(%arg0: i32, %arg1: i32, %arg2: memref<50176x32xf32, #tpu.memory_space<hbm>>, %arg3: memref<50176x32xf32, #tpu.memory_space<hbm>>, %arg4: memref<6272x128xi32, #tpu.memory_space<hbm>>, %arg5: memref<6272x128xi32, #tpu.memory_space<hbm>>, %arg6: memref<3136x32xf32, #tpu.memory_space<hbm>>, %arg7: memref<2x50176x32xf32, #tpu.memory_space<hbm>>, %arg8: memref<28x128xi32, #tpu.memory_space<vmem>>, %arg9: memref<28x128xi32, #tpu.memory_space<vmem>>, %arg10: memref<4x128x32xf32, #tpu.memory_space<vmem>>, %arg11: memref<98x32xf32, #tpu.memory_space<vmem>>, %arg12: memref<50176x32xf32, #tpu.memory_space<vmem_shared>>, %arg13: memref<!tpu.dma_semaphore, #tpu.memory_space<semaphore_mem>>, %arg14: memref<!tpu.dma_semaphore, #tpu.memory_space<semaphore_mem>>) attributes {dimension_semantics = [#tpu.dimension_semantics<core_parallel>, #tpu.dimension_semantics<subcore_parallel>], iteration_bounds = array<i64: 2, 16>, scalar_prefetch = 0 : i64, scratch_operands = 7 : i64, tpu.core_type = #tpu.core_type<sc_vector_subcore>, window_params = [{transform_indices = #map}, {transform_indices = #map}, {transform_indices = #map}, {transform_indices = #map}, {transform_indices = #map}, {transform_indices = #map1}]} {
    %mul3A = arith.constant 3136 : i32
    %mul3A_0 = arith.muli %arg1, %mul3A : i32
    "tpu.region"() ({
      %run_scoped3A = tpu.sem_alloc : memref<!tpu.dma_semaphore, #tpu.memory_space<semaphore_mem>>
      %dma_start3A = arith.constant 0 : i32
      %dma_start3A_13 = tpu.memref_slice %arg12[%mul3A_0, %dma_start3A] : memref<50176x32xf32, #tpu.memory_space<vmem_shared>> -> memref<3136x32xf32, #tpu.memory_space<vmem_shared>>
      tpu.enqueue_dma source(%arg6 : memref<3136x32xf32, #tpu.memory_space<hbm>>) target(%dma_start3A_13 : memref<3136x32xf32, #tpu.memory_space<vmem_shared>>) target_semaphore(%run_scoped3A : memref<!tpu.dma_semaphore, #tpu.memory_space<semaphore_mem>>)
      %dma_wait3A = arith.constant 0 : i32
      %dma_wait3A_14 = tpu.memref_slice %arg12[%mul3A_0, %dma_wait3A] : memref<50176x32xf32, #tpu.memory_space<vmem_shared>> -> memref<3136x32xf32, #tpu.memory_space<vmem_shared>>
      tpu.wait_dma2 semaphore(%run_scoped3A : memref<!tpu.dma_semaphore, #tpu.memory_space<semaphore_mem>>) src(%arg6 : memref<3136x32xf32, #tpu.memory_space<hbm>>) dst(%dma_wait3A_14 : memref<3136x32xf32, #tpu.memory_space<vmem_shared>>)
      tpu.yield
    }) : () -> ()
    %barrier3A = arith.constant 0 : index
    tpu.barrier barrier_id(%barrier3A)
    %eq3A = arith.constant 0 : i32
    %eq3A_1 = arith.cmpi eq, %arg0, %eq3A : i32
    %convert_element_type3A = arith.extui %eq3A_1 : i1 to i32
    %cond3A = arith.constant 0 : i32
    %cond3A_2 = arith.cmpi ne, %convert_element_type3A, %cond3A : i32
    scf.if %cond3A_2 {
      %scan3A_13 = arith.constant 0 : i32
      %scan3A_14 = arith.constant 14 : i32
      %scan3A_15 = arith.addi %scan3A_13, %scan3A_14 : i32
      %scan3A_16 = arith.constant 1 : i32
      scf.for %scan3A_18 = %scan3A_13 to %scan3A_15 step %scan3A_16  : i32 {
        %mul3A_19 = arith.constant 1 : i32
        %mul3A_20 = arith.muli %scan3A_18, %mul3A_19 : i32
        %add3A = arith.constant 0 : i32
        %add3A_21 = arith.addi %add3A, %mul3A_20 : i32
        %mul3A_22 = arith.constant 392 : i32
        %mul3A_23 = arith.muli %arg1, %mul3A_22 : i32
        %mul3A_24 = arith.constant 28 : i32
        %mul3A_25 = arith.muli %add3A_21, %mul3A_24 : i32
        %add3A_26 = arith.addi %mul3A_23, %mul3A_25 : i32
        "tpu.region"() ({
          %run_scoped3A = tpu.sem_alloc : memref<!tpu.dma_semaphore, #tpu.memory_space<semaphore_mem>>
          %dma_start3A = arith.constant 0 : i32
          %dma_start3A_32 = tpu.memref_slice %arg4[%add3A_26, %dma_start3A] : memref<6272x128xi32, #tpu.memory_space<hbm>> -> memref<28x128xi32, #tpu.memory_space<hbm>>
          %dma_start3A_33 = arith.constant 0 : i32
          %dma_start3A_34 = tpu.memref_slice %arg4[%add3A_26, %dma_start3A_33] : memref<6272x128xi32, #tpu.memory_space<hbm>> -> memref<28x128xi32, #tpu.memory_space<hbm>>
          tpu.enqueue_dma source(%dma_start3A_34 : memref<28x128xi32, #tpu.memory_space<hbm>>) target(%arg8 : memref<28x128xi32, #tpu.memory_space<vmem>>) target_semaphore(%run_scoped3A : memref<!tpu.dma_semaphore, #tpu.memory_space<semaphore_mem>>)
          %dma_wait3A = arith.constant 0 : i32
          %dma_wait3A_35 = tpu.memref_slice %arg4[%add3A_26, %dma_wait3A] : memref<6272x128xi32, #tpu.memory_space<hbm>> -> memref<28x128xi32, #tpu.memory_space<hbm>>
          %dma_wait3A_36 = arith.constant 0 : i32
          %dma_wait3A_37 = tpu.memref_slice %arg4[%add3A_26, %dma_wait3A_36] : memref<6272x128xi32, #tpu.memory_space<hbm>> -> memref<28x128xi32, #tpu.memory_space<hbm>>
          tpu.wait_dma2 semaphore(%run_scoped3A : memref<!tpu.dma_semaphore, #tpu.memory_space<semaphore_mem>>) src(%dma_wait3A_37 : memref<28x128xi32, #tpu.memory_space<hbm>>) dst(%arg8 : memref<28x128xi32, #tpu.memory_space<vmem>>)
          tpu.yield
        }) : () -> ()
        "tpu.region"() ({
          %run_scoped3A = tpu.sem_alloc : memref<!tpu.dma_semaphore, #tpu.memory_space<semaphore_mem>>
          %dma_start3A = arith.constant 0 : i32
          %dma_start3A_32 = tpu.memref_slice %arg5[%add3A_26, %dma_start3A] : memref<6272x128xi32, #tpu.memory_space<hbm>> -> memref<28x128xi32, #tpu.memory_space<hbm>>
          %dma_start3A_33 = arith.constant 0 : i32
          %dma_start3A_34 = tpu.memref_slice %arg5[%add3A_26, %dma_start3A_33] : memref<6272x128xi32, #tpu.memory_space<hbm>> -> memref<28x128xi32, #tpu.memory_space<hbm>>
          tpu.enqueue_dma source(%dma_start3A_34 : memref<28x128xi32, #tpu.memory_space<hbm>>) target(%arg9 : memref<28x128xi32, #tpu.memory_space<vmem>>) target_semaphore(%run_scoped3A : memref<!tpu.dma_semaphore, #tpu.memory_space<semaphore_mem>>)
          %dma_wait3A = arith.constant 0 : i32
          %dma_wait3A_35 = tpu.memref_slice %arg5[%add3A_26, %dma_wait3A] : memref<6272x128xi32, #tpu.memory_space<hbm>> -> memref<28x128xi32, #tpu.memory_space<hbm>>
          %dma_wait3A_36 = arith.constant 0 : i32
          %dma_wait3A_37 = tpu.memref_slice %arg5[%add3A_26, %dma_wait3A_36] : memref<6272x128xi32, #tpu.memory_space<hbm>> -> memref<28x128xi32, #tpu.memory_space<hbm>>
          tpu.wait_dma2 semaphore(%run_scoped3A : memref<!tpu.dma_semaphore, #tpu.memory_space<semaphore_mem>>) src(%dma_wait3A_37 : memref<28x128xi32, #tpu.memory_space<hbm>>) dst(%arg9 : memref<28x128xi32, #tpu.memory_space<vmem>>)
          tpu.yield
        }) : () -> ()
        %scan3A_27 = arith.constant 0 : i32
        %scan3A_28 = arith.constant 7 : i32
        %scan3A_29 = arith.addi %scan3A_27, %scan3A_28 : i32
        %scan3A_30 = arith.constant 1 : i32
        scf.for %scan3A_32 = %scan3A_27 to %scan3A_29 step %scan3A_30  : i32 {
          %mul3A_33 = arith.constant 4 : i32
          %mul3A_34 = arith.muli %scan3A_32, %mul3A_33 : i32
          %add3A_35 = arith.constant 0 : i32
          %add3A_36 = arith.addi %add3A_35, %mul3A_34 : i32
          %add3A_37 = arith.constant 0 : i32
          %add3A_38 = arith.addi %add3A_36, %add3A_37 : i32
          %dma_start3A = arith.constant 0 : i32
          %dma_start3A_39 = arith.constant 0 : i32
          %dma_start3A_40 = arith.constant 0 : i32
          %dma_start3A_41 = tpu.memref_slice %arg10[%dma_start3A, %dma_start3A_39, %dma_start3A_40] : memref<4x128x32xf32, #tpu.memory_space<vmem>> -> memref<1x128x32xf32, #tpu.memory_space<vmem>>
          %dma_start3A_42 = tpu.memref_squeeze %dma_start3A_41 : memref<1x128x32xf32, #tpu.memory_space<vmem>> -> memref<128x32xf32, #tpu.memory_space<vmem>>
          %dma_start3A_43 = arith.constant 0 : i32
          %dma_start3A_44 = tpu.memref_slice %arg8[%add3A_38, %dma_start3A_43] : memref<28x128xi32, #tpu.memory_space<vmem>> -> memref<1x128xi32, #tpu.memory_space<vmem>>
          %dma_start3A_45 = tpu.memref_squeeze %dma_start3A_44 : memref<1x128xi32, #tpu.memory_space<vmem>> -> memref<128xi32, #tpu.memory_space<vmem>>
          %dma_start3A_46 = arith.constant 0 : i32
          %dma_start3A_47 = arith.constant 0 : i32
          %dma_start3A_48 = tpu.memref_slice %arg2[%dma_start3A_46, %dma_start3A_47] : memref<50176x32xf32, #tpu.memory_space<hbm>> -> memref<50176x32xf32, #tpu.memory_space<hbm>>
          tpu.enqueue_indirect_dma source(%dma_start3A_48 : memref<50176x32xf32, #tpu.memory_space<hbm>>) target(%dma_start3A_42 : memref<128x32xf32, #tpu.memory_space<vmem>>) offsets(%dma_start3A_45 : memref<128xi32, #tpu.memory_space<vmem>>) semaphore(%arg13 : memref<!tpu.dma_semaphore, #tpu.memory_space<semaphore_mem>>)
          %add3A_49 = arith.constant 1 : i32
          %add3A_50 = arith.addi %add3A_36, %add3A_49 : i32
          %dma_start3A_51 = arith.constant 1 : i32
          %dma_start3A_52 = arith.constant 0 : i32
          %dma_start3A_53 = arith.constant 0 : i32
          %dma_start3A_54 = tpu.memref_slice %arg10[%dma_start3A_51, %dma_start3A_52, %dma_start3A_53] : memref<4x128x32xf32, #tpu.memory_space<vmem>> -> memref<1x128x32xf32, #tpu.memory_space<vmem>>
          %dma_start3A_55 = tpu.memref_squeeze %dma_start3A_54 : memref<1x128x32xf32, #tpu.memory_space<vmem>> -> memref<128x32xf32, #tpu.memory_space<vmem>>
          %dma_start3A_56 = arith.constant 0 : i32
          %dma_start3A_57 = tpu.memref_slice %arg8[%add3A_50, %dma_start3A_56] : memref<28x128xi32, #tpu.memory_space<vmem>> -> memref<1x128xi32, #tpu.memory_space<vmem>>
          %dma_start3A_58 = tpu.memref_squeeze %dma_start3A_57 : memref<1x128xi32, #tpu.memory_space<vmem>> -> memref<128xi32, #tpu.memory_space<vmem>>
          %dma_start3A_59 = arith.constant 0 : i32
          %dma_start3A_60 = arith.constant 0 : i32
          %dma_start3A_61 = tpu.memref_slice %arg2[%dma_start3A_59, %dma_start3A_60] : memref<50176x32xf32, #tpu.memory_space<hbm>> -> memref<50176x32xf32, #tpu.memory_space<hbm>>
          tpu.enqueue_indirect_dma source(%dma_start3A_61 : memref<50176x32xf32, #tpu.memory_space<hbm>>) target(%dma_start3A_55 : memref<128x32xf32, #tpu.memory_space<vmem>>) offsets(%dma_start3A_58 : memref<128xi32, #tpu.memory_space<vmem>>) semaphore(%arg13 : memref<!tpu.dma_semaphore, #tpu.memory_space<semaphore_mem>>)
          %add3A_62 = arith.constant 2 : i32
          %add3A_63 = arith.addi %add3A_36, %add3A_62 : i32
          %dma_start3A_64 = arith.constant 2 : i32
          %dma_start3A_65 = arith.constant 0 : i32
          %dma_start3A_66 = arith.constant 0 : i32
          %dma_start3A_67 = tpu.memref_slice %arg10[%dma_start3A_64, %dma_start3A_65, %dma_start3A_66] : memref<4x128x32xf32, #tpu.memory_space<vmem>> -> memref<1x128x32xf32, #tpu.memory_space<vmem>>
          %dma_start3A_68 = tpu.memref_squeeze %dma_start3A_67 : memref<1x128x32xf32, #tpu.memory_space<vmem>> -> memref<128x32xf32, #tpu.memory_space<vmem>>
          %dma_start3A_69 = arith.constant 0 : i32
          %dma_start3A_70 = tpu.memref_slice %arg8[%add3A_63, %dma_start3A_69] : memref<28x128xi32, #tpu.memory_space<vmem>> -> memref<1x128xi32, #tpu.memory_space<vmem>>
          %dma_start3A_71 = tpu.memref_squeeze %dma_start3A_70 : memref<1x128xi32, #tpu.memory_space<vmem>> -> memref<128xi32, #tpu.memory_space<vmem>>
          %dma_start3A_72 = arith.constant 0 : i32
          %dma_start3A_73 = arith.constant 0 : i32
          %dma_start3A_74 = tpu.memref_slice %arg2[%dma_start3A_72, %dma_start3A_73] : memref<50176x32xf32, #tpu.memory_space<hbm>> -> memref<50176x32xf32, #tpu.memory_space<hbm>>
          tpu.enqueue_indirect_dma source(%dma_start3A_74 : memref<50176x32xf32, #tpu.memory_space<hbm>>) target(%dma_start3A_68 : memref<128x32xf32, #tpu.memory_space<vmem>>) offsets(%dma_start3A_71 : memref<128xi32, #tpu.memory_space<vmem>>) semaphore(%arg13 : memref<!tpu.dma_semaphore, #tpu.memory_space<semaphore_mem>>)
          %add3A_75 = arith.constant 3 : i32
          %add3A_76 = arith.addi %add3A_36, %add3A_75 : i32
          %dma_start3A_77 = arith.constant 3 : i32
          %dma_start3A_78 = arith.constant 0 : i32
          %dma_start3A_79 = arith.constant 0 : i32
          %dma_start3A_80 = tpu.memref_slice %arg10[%dma_start3A_77, %dma_start3A_78, %dma_start3A_79] : memref<4x128x32xf32, #tpu.memory_space<vmem>> -> memref<1x128x32xf32, #tpu.memory_space<vmem>>
          %dma_start3A_81 = tpu.memref_squeeze %dma_start3A_80 : memref<1x128x32xf32, #tpu.memory_space<vmem>> -> memref<128x32xf32, #tpu.memory_space<vmem>>
          %dma_start3A_82 = arith.constant 0 : i32
          %dma_start3A_83 = tpu.memref_slice %arg8[%add3A_76, %dma_start3A_82] : memref<28x128xi32, #tpu.memory_space<vmem>> -> memref<1x128xi32, #tpu.memory_space<vmem>>
          %dma_start3A_84 = tpu.memref_squeeze %dma_start3A_83 : memref<1x128xi32, #tpu.memory_space<vmem>> -> memref<128xi32, #tpu.memory_space<vmem>>
          %dma_start3A_85 = arith.constant 0 : i32
          %dma_start3A_86 = arith.constant 0 : i32
          %dma_start3A_87 = tpu.memref_slice %arg2[%dma_start3A_85, %dma_start3A_86] : memref<50176x32xf32, #tpu.memory_space<hbm>> -> memref<50176x32xf32, #tpu.memory_space<hbm>>
          tpu.enqueue_indirect_dma source(%dma_start3A_87 : memref<50176x32xf32, #tpu.memory_space<hbm>>) target(%dma_start3A_81 : memref<128x32xf32, #tpu.memory_space<vmem>>) offsets(%dma_start3A_84 : memref<128xi32, #tpu.memory_space<vmem>>) semaphore(%arg13 : memref<!tpu.dma_semaphore, #tpu.memory_space<semaphore_mem>>)
          %dma_wait3A = arith.constant 0 : i32
          %dma_wait3A_88 = arith.constant 0 : i32
          %dma_wait3A_89 = arith.constant 0 : i32
          %dma_wait3A_90 = tpu.memref_slice %arg10[%dma_wait3A, %dma_wait3A_88, %dma_wait3A_89] : memref<4x128x32xf32, #tpu.memory_space<vmem>> -> memref<1x128x32xf32, #tpu.memory_space<vmem>>
          %dma_wait3A_91 = tpu.memref_squeeze %dma_wait3A_90 : memref<1x128x32xf32, #tpu.memory_space<vmem>> -> memref<128x32xf32, #tpu.memory_space<vmem>>
          %dma_wait3A_92 = arith.constant 0 : i32
          %dma_wait3A_93 = tpu.memref_slice %arg8[%add3A_38, %dma_wait3A_92] : memref<28x128xi32, #tpu.memory_space<vmem>> -> memref<1x128xi32, #tpu.memory_space<vmem>>
          %dma_wait3A_94 = tpu.memref_squeeze %dma_wait3A_93 : memref<1x128xi32, #tpu.memory_space<vmem>> -> memref<128xi32, #tpu.memory_space<vmem>>
          %dma_wait3A_95 = arith.constant 0 : i32
          %dma_wait3A_96 = arith.constant 0 : i32
          %dma_wait3A_97 = tpu.memref_slice %arg2[%dma_wait3A_95, %dma_wait3A_96] : memref<50176x32xf32, #tpu.memory_space<hbm>> -> memref<50176x32xf32, #tpu.memory_space<hbm>>
          tpu.wait_indirect_dma semaphore(%arg13 : memref<!tpu.dma_semaphore, #tpu.memory_space<semaphore_mem>>) src(%dma_wait3A_97 : memref<50176x32xf32, #tpu.memory_space<hbm>>) dst(%dma_wait3A_91 : memref<128x32xf32, #tpu.memory_space<vmem>>)
          %add3A_98 = arith.constant 0 : i32
          %add3A_99 = arith.addi %add3A_36, %add3A_98 : i32
          %dma_start3A_100 = arith.constant 0 : i32
          %dma_start3A_101 = arith.constant 0 : i32
          %dma_start3A_102 = arith.constant 0 : i32
          %dma_start3A_103 = tpu.memref_slice %arg10[%dma_start3A_100, %dma_start3A_101, %dma_start3A_102] : memref<4x128x32xf32, #tpu.memory_space<vmem>> -> memref<1x128x32xf32, #tpu.memory_space<vmem>>
          %dma_start3A_104 = tpu.memref_squeeze %dma_start3A_103 : memref<1x128x32xf32, #tpu.memory_space<vmem>> -> memref<128x32xf32, #tpu.memory_space<vmem>>
          %dma_start3A_105 = arith.constant 0 : i32
          %dma_start3A_106 = tpu.memref_slice %arg9[%add3A_99, %dma_start3A_105] : memref<28x128xi32, #tpu.memory_space<vmem>> -> memref<1x128xi32, #tpu.memory_space<vmem>>
          %dma_start3A_107 = tpu.memref_squeeze %dma_start3A_106 : memref<1x128xi32, #tpu.memory_space<vmem>> -> memref<128xi32, #tpu.memory_space<vmem>>
          %dma_start3A_108 = arith.constant 0 : i32
          %dma_start3A_109 = arith.constant 0 : i32
          %dma_start3A_110 = tpu.memref_slice %arg12[%dma_start3A_108, %dma_start3A_109] : memref<50176x32xf32, #tpu.memory_space<vmem_shared>> -> memref<50176x32xf32, #tpu.memory_space<vmem_shared>>
          tpu.enqueue_indirect_dma source(%dma_start3A_104 : memref<128x32xf32, #tpu.memory_space<vmem>>) target(%dma_start3A_110 : memref<50176x32xf32, #tpu.memory_space<vmem_shared>>) offsets(%dma_start3A_107 : memref<128xi32, #tpu.memory_space<vmem>>) semaphore(%arg14 : memref<!tpu.dma_semaphore, #tpu.memory_space<semaphore_mem>>) {add = true}
          %dma_wait3A_111 = arith.constant 1 : i32
          %dma_wait3A_112 = arith.constant 0 : i32
          %dma_wait3A_113 = arith.constant 0 : i32
          %dma_wait3A_114 = tpu.memref_slice %arg10[%dma_wait3A_111, %dma_wait3A_112, %dma_wait3A_113] : memref<4x128x32xf32, #tpu.memory_space<vmem>> -> memref<1x128x32xf32, #tpu.memory_space<vmem>>
          %dma_wait3A_115 = tpu.memref_squeeze %dma_wait3A_114 : memref<1x128x32xf32, #tpu.memory_space<vmem>> -> memref<128x32xf32, #tpu.memory_space<vmem>>
          %dma_wait3A_116 = arith.constant 0 : i32
          %dma_wait3A_117 = tpu.memref_slice %arg8[%add3A_50, %dma_wait3A_116] : memref<28x128xi32, #tpu.memory_space<vmem>> -> memref<1x128xi32, #tpu.memory_space<vmem>>
          %dma_wait3A_118 = tpu.memref_squeeze %dma_wait3A_117 : memref<1x128xi32, #tpu.memory_space<vmem>> -> memref<128xi32, #tpu.memory_space<vmem>>
          %dma_wait3A_119 = arith.constant 0 : i32
          %dma_wait3A_120 = arith.constant 0 : i32
          %dma_wait3A_121 = tpu.memref_slice %arg2[%dma_wait3A_119, %dma_wait3A_120] : memref<50176x32xf32, #tpu.memory_space<hbm>> -> memref<50176x32xf32, #tpu.memory_space<hbm>>
          tpu.wait_indirect_dma semaphore(%arg13 : memref<!tpu.dma_semaphore, #tpu.memory_space<semaphore_mem>>) src(%dma_wait3A_121 : memref<50176x32xf32, #tpu.memory_space<hbm>>) dst(%dma_wait3A_115 : memref<128x32xf32, #tpu.memory_space<vmem>>)
          %add3A_122 = arith.constant 1 : i32
          %add3A_123 = arith.addi %add3A_36, %add3A_122 : i32
          %dma_start3A_124 = arith.constant 1 : i32
          %dma_start3A_125 = arith.constant 0 : i32
          %dma_start3A_126 = arith.constant 0 : i32
          %dma_start3A_127 = tpu.memref_slice %arg10[%dma_start3A_124, %dma_start3A_125, %dma_start3A_126] : memref<4x128x32xf32, #tpu.memory_space<vmem>> -> memref<1x128x32xf32, #tpu.memory_space<vmem>>
          %dma_start3A_128 = tpu.memref_squeeze %dma_start3A_127 : memref<1x128x32xf32, #tpu.memory_space<vmem>> -> memref<128x32xf32, #tpu.memory_space<vmem>>
          %dma_start3A_129 = arith.constant 0 : i32
          %dma_start3A_130 = tpu.memref_slice %arg9[%add3A_123, %dma_start3A_129] : memref<28x128xi32, #tpu.memory_space<vmem>> -> memref<1x128xi32, #tpu.memory_space<vmem>>
          %dma_start3A_131 = tpu.memref_squeeze %dma_start3A_130 : memref<1x128xi32, #tpu.memory_space<vmem>> -> memref<128xi32, #tpu.memory_space<vmem>>
          %dma_start3A_132 = arith.constant 0 : i32
          %dma_start3A_133 = arith.constant 0 : i32
          %dma_start3A_134 = tpu.memref_slice %arg12[%dma_start3A_132, %dma_start3A_133] : memref<50176x32xf32, #tpu.memory_space<vmem_shared>> -> memref<50176x32xf32, #tpu.memory_space<vmem_shared>>
          tpu.enqueue_indirect_dma source(%dma_start3A_128 : memref<128x32xf32, #tpu.memory_space<vmem>>) target(%dma_start3A_134 : memref<50176x32xf32, #tpu.memory_space<vmem_shared>>) offsets(%dma_start3A_131 : memref<128xi32, #tpu.memory_space<vmem>>) semaphore(%arg14 : memref<!tpu.dma_semaphore, #tpu.memory_space<semaphore_mem>>) {add = true}
          %dma_wait3A_135 = arith.constant 2 : i32
          %dma_wait3A_136 = arith.constant 0 : i32
          %dma_wait3A_137 = arith.constant 0 : i32
          %dma_wait3A_138 = tpu.memref_slice %arg10[%dma_wait3A_135, %dma_wait3A_136, %dma_wait3A_137] : memref<4x128x32xf32, #tpu.memory_space<vmem>> -> memref<1x128x32xf32, #tpu.memory_space<vmem>>
          %dma_wait3A_139 = tpu.memref_squeeze %dma_wait3A_138 : memref<1x128x32xf32, #tpu.memory_space<vmem>> -> memref<128x32xf32, #tpu.memory_space<vmem>>
          %dma_wait3A_140 = arith.constant 0 : i32
          %dma_wait3A_141 = tpu.memref_slice %arg8[%add3A_63, %dma_wait3A_140] : memref<28x128xi32, #tpu.memory_space<vmem>> -> memref<1x128xi32, #tpu.memory_space<vmem>>
          %dma_wait3A_142 = tpu.memref_squeeze %dma_wait3A_141 : memref<1x128xi32, #tpu.memory_space<vmem>> -> memref<128xi32, #tpu.memory_space<vmem>>
          %dma_wait3A_143 = arith.constant 0 : i32
          %dma_wait3A_144 = arith.constant 0 : i32
          %dma_wait3A_145 = tpu.memref_slice %arg2[%dma_wait3A_143, %dma_wait3A_144] : memref<50176x32xf32, #tpu.memory_space<hbm>> -> memref<50176x32xf32, #tpu.memory_space<hbm>>
          tpu.wait_indirect_dma semaphore(%arg13 : memref<!tpu.dma_semaphore, #tpu.memory_space<semaphore_mem>>) src(%dma_wait3A_145 : memref<50176x32xf32, #tpu.memory_space<hbm>>) dst(%dma_wait3A_139 : memref<128x32xf32, #tpu.memory_space<vmem>>)
          %add3A_146 = arith.constant 2 : i32
          %add3A_147 = arith.addi %add3A_36, %add3A_146 : i32
          %dma_start3A_148 = arith.constant 2 : i32
          %dma_start3A_149 = arith.constant 0 : i32
          %dma_start3A_150 = arith.constant 0 : i32
          %dma_start3A_151 = tpu.memref_slice %arg10[%dma_start3A_148, %dma_start3A_149, %dma_start3A_150] : memref<4x128x32xf32, #tpu.memory_space<vmem>> -> memref<1x128x32xf32, #tpu.memory_space<vmem>>
          %dma_start3A_152 = tpu.memref_squeeze %dma_start3A_151 : memref<1x128x32xf32, #tpu.memory_space<vmem>> -> memref<128x32xf32, #tpu.memory_space<vmem>>
          %dma_start3A_153 = arith.constant 0 : i32
          %dma_start3A_154 = tpu.memref_slice %arg9[%add3A_147, %dma_start3A_153] : memref<28x128xi32, #tpu.memory_space<vmem>> -> memref<1x128xi32, #tpu.memory_space<vmem>>
          %dma_start3A_155 = tpu.memref_squeeze %dma_start3A_154 : memref<1x128xi32, #tpu.memory_space<vmem>> -> memref<128xi32, #tpu.memory_space<vmem>>
          %dma_start3A_156 = arith.constant 0 : i32
          %dma_start3A_157 = arith.constant 0 : i32
          %dma_start3A_158 = tpu.memref_slice %arg12[%dma_start3A_156, %dma_start3A_157] : memref<50176x32xf32, #tpu.memory_space<vmem_shared>> -> memref<50176x32xf32, #tpu.memory_space<vmem_shared>>
          tpu.enqueue_indirect_dma source(%dma_start3A_152 : memref<128x32xf32, #tpu.memory_space<vmem>>) target(%dma_start3A_158 : memref<50176x32xf32, #tpu.memory_space<vmem_shared>>) offsets(%dma_start3A_155 : memref<128xi32, #tpu.memory_space<vmem>>) semaphore(%arg14 : memref<!tpu.dma_semaphore, #tpu.memory_space<semaphore_mem>>) {add = true}
          %dma_wait3A_159 = arith.constant 3 : i32
          %dma_wait3A_160 = arith.constant 0 : i32
          %dma_wait3A_161 = arith.constant 0 : i32
          %dma_wait3A_162 = tpu.memref_slice %arg10[%dma_wait3A_159, %dma_wait3A_160, %dma_wait3A_161] : memref<4x128x32xf32, #tpu.memory_space<vmem>> -> memref<1x128x32xf32, #tpu.memory_space<vmem>>
          %dma_wait3A_163 = tpu.memref_squeeze %dma_wait3A_162 : memref<1x128x32xf32, #tpu.memory_space<vmem>> -> memref<128x32xf32, #tpu.memory_space<vmem>>
          %dma_wait3A_164 = arith.constant 0 : i32
          %dma_wait3A_165 = tpu.memref_slice %arg8[%add3A_76, %dma_wait3A_164] : memref<28x128xi32, #tpu.memory_space<vmem>> -> memref<1x128xi32, #tpu.memory_space<vmem>>
          %dma_wait3A_166 = tpu.memref_squeeze %dma_wait3A_165 : memref<1x128xi32, #tpu.memory_space<vmem>> -> memref<128xi32, #tpu.memory_space<vmem>>
          %dma_wait3A_167 = arith.constant 0 : i32
          %dma_wait3A_168 = arith.constant 0 : i32
          %dma_wait3A_169 = tpu.memref_slice %arg2[%dma_wait3A_167, %dma_wait3A_168] : memref<50176x32xf32, #tpu.memory_space<hbm>> -> memref<50176x32xf32, #tpu.memory_space<hbm>>
          tpu.wait_indirect_dma semaphore(%arg13 : memref<!tpu.dma_semaphore, #tpu.memory_space<semaphore_mem>>) src(%dma_wait3A_169 : memref<50176x32xf32, #tpu.memory_space<hbm>>) dst(%dma_wait3A_163 : memref<128x32xf32, #tpu.memory_space<vmem>>)
          %add3A_170 = arith.constant 3 : i32
          %add3A_171 = arith.addi %add3A_36, %add3A_170 : i32
          %dma_start3A_172 = arith.constant 3 : i32
          %dma_start3A_173 = arith.constant 0 : i32
          %dma_start3A_174 = arith.constant 0 : i32
          %dma_start3A_175 = tpu.memref_slice %arg10[%dma_start3A_172, %dma_start3A_173, %dma_start3A_174] : memref<4x128x32xf32, #tpu.memory_space<vmem>> -> memref<1x128x32xf32, #tpu.memory_space<vmem>>
          %dma_start3A_176 = tpu.memref_squeeze %dma_start3A_175 : memref<1x128x32xf32, #tpu.memory_space<vmem>> -> memref<128x32xf32, #tpu.memory_space<vmem>>
          %dma_start3A_177 = arith.constant 0 : i32
          %dma_start3A_178 = tpu.memref_slice %arg9[%add3A_171, %dma_start3A_177] : memref<28x128xi32, #tpu.memory_space<vmem>> -> memref<1x128xi32, #tpu.memory_space<vmem>>
          %dma_start3A_179 = tpu.memref_squeeze %dma_start3A_178 : memref<1x128xi32, #tpu.memory_space<vmem>> -> memref<128xi32, #tpu.memory_space<vmem>>
          %dma_start3A_180 = arith.constant 0 : i32
          %dma_start3A_181 = arith.constant 0 : i32
          %dma_start3A_182 = tpu.memref_slice %arg12[%dma_start3A_180, %dma_start3A_181] : memref<50176x32xf32, #tpu.memory_space<vmem_shared>> -> memref<50176x32xf32, #tpu.memory_space<vmem_shared>>
          tpu.enqueue_indirect_dma source(%dma_start3A_176 : memref<128x32xf32, #tpu.memory_space<vmem>>) target(%dma_start3A_182 : memref<50176x32xf32, #tpu.memory_space<vmem_shared>>) offsets(%dma_start3A_179 : memref<128xi32, #tpu.memory_space<vmem>>) semaphore(%arg14 : memref<!tpu.dma_semaphore, #tpu.memory_space<semaphore_mem>>) {add = true}
          %dma_wait3A_183 = arith.constant 0 : i32
          %dma_wait3A_184 = arith.constant 0 : i32
          %dma_wait3A_185 = arith.constant 0 : i32
          %dma_wait3A_186 = tpu.memref_slice %arg10[%dma_wait3A_183, %dma_wait3A_184, %dma_wait3A_185] : memref<4x128x32xf32, #tpu.memory_space<vmem>> -> memref<1x128x32xf32, #tpu.memory_space<vmem>>
          %dma_wait3A_187 = tpu.memref_squeeze %dma_wait3A_186 : memref<1x128x32xf32, #tpu.memory_space<vmem>> -> memref<128x32xf32, #tpu.memory_space<vmem>>
          %dma_wait3A_188 = arith.constant 0 : i32
          %dma_wait3A_189 = tpu.memref_slice %arg9[%add3A_99, %dma_wait3A_188] : memref<28x128xi32, #tpu.memory_space<vmem>> -> memref<1x128xi32, #tpu.memory_space<vmem>>
          %dma_wait3A_190 = tpu.memref_squeeze %dma_wait3A_189 : memref<1x128xi32, #tpu.memory_space<vmem>> -> memref<128xi32, #tpu.memory_space<vmem>>
          %dma_wait3A_191 = arith.constant 0 : i32
          %dma_wait3A_192 = arith.constant 0 : i32
          %dma_wait3A_193 = tpu.memref_slice %arg12[%dma_wait3A_191, %dma_wait3A_192] : memref<50176x32xf32, #tpu.memory_space<vmem_shared>> -> memref<50176x32xf32, #tpu.memory_space<vmem_shared>>
          tpu.wait_indirect_dma semaphore(%arg14 : memref<!tpu.dma_semaphore, #tpu.memory_space<semaphore_mem>>) src(%dma_wait3A_187 : memref<128x32xf32, #tpu.memory_space<vmem>>) dst(%dma_wait3A_193 : memref<50176x32xf32, #tpu.memory_space<vmem_shared>>)
          %dma_wait3A_194 = arith.constant 1 : i32
          %dma_wait3A_195 = arith.constant 0 : i32
          %dma_wait3A_196 = arith.constant 0 : i32
          %dma_wait3A_197 = tpu.memref_slice %arg10[%dma_wait3A_194, %dma_wait3A_195, %dma_wait3A_196] : memref<4x128x32xf32, #tpu.memory_space<vmem>> -> memref<1x128x32xf32, #tpu.memory_space<vmem>>
          %dma_wait3A_198 = tpu.memref_squeeze %dma_wait3A_197 : memref<1x128x32xf32, #tpu.memory_space<vmem>> -> memref<128x32xf32, #tpu.memory_space<vmem>>
          %dma_wait3A_199 = arith.constant 0 : i32
          %dma_wait3A_200 = tpu.memref_slice %arg9[%add3A_123, %dma_wait3A_199] : memref<28x128xi32, #tpu.memory_space<vmem>> -> memref<1x128xi32, #tpu.memory_space<vmem>>
          %dma_wait3A_201 = tpu.memref_squeeze %dma_wait3A_200 : memref<1x128xi32, #tpu.memory_space<vmem>> -> memref<128xi32, #tpu.memory_space<vmem>>
          %dma_wait3A_202 = arith.constant 0 : i32
          %dma_wait3A_203 = arith.constant 0 : i32
          %dma_wait3A_204 = tpu.memref_slice %arg12[%dma_wait3A_202, %dma_wait3A_203] : memref<50176x32xf32, #tpu.memory_space<vmem_shared>> -> memref<50176x32xf32, #tpu.memory_space<vmem_shared>>
          tpu.wait_indirect_dma semaphore(%arg14 : memref<!tpu.dma_semaphore, #tpu.memory_space<semaphore_mem>>) src(%dma_wait3A_198 : memref<128x32xf32, #tpu.memory_space<vmem>>) dst(%dma_wait3A_204 : memref<50176x32xf32, #tpu.memory_space<vmem_shared>>)
          %dma_wait3A_205 = arith.constant 2 : i32
          %dma_wait3A_206 = arith.constant 0 : i32
          %dma_wait3A_207 = arith.constant 0 : i32
          %dma_wait3A_208 = tpu.memref_slice %arg10[%dma_wait3A_205, %dma_wait3A_206, %dma_wait3A_207] : memref<4x128x32xf32, #tpu.memory_space<vmem>> -> memref<1x128x32xf32, #tpu.memory_space<vmem>>
          %dma_wait3A_209 = tpu.memref_squeeze %dma_wait3A_208 : memref<1x128x32xf32, #tpu.memory_space<vmem>> -> memref<128x32xf32, #tpu.memory_space<vmem>>
          %dma_wait3A_210 = arith.constant 0 : i32
          %dma_wait3A_211 = tpu.memref_slice %arg9[%add3A_147, %dma_wait3A_210] : memref<28x128xi32, #tpu.memory_space<vmem>> -> memref<1x128xi32, #tpu.memory_space<vmem>>
          %dma_wait3A_212 = tpu.memref_squeeze %dma_wait3A_211 : memref<1x128xi32, #tpu.memory_space<vmem>> -> memref<128xi32, #tpu.memory_space<vmem>>
          %dma_wait3A_213 = arith.constant 0 : i32
          %dma_wait3A_214 = arith.constant 0 : i32
          %dma_wait3A_215 = tpu.memref_slice %arg12[%dma_wait3A_213, %dma_wait3A_214] : memref<50176x32xf32, #tpu.memory_space<vmem_shared>> -> memref<50176x32xf32, #tpu.memory_space<vmem_shared>>
          tpu.wait_indirect_dma semaphore(%arg14 : memref<!tpu.dma_semaphore, #tpu.memory_space<semaphore_mem>>) src(%dma_wait3A_209 : memref<128x32xf32, #tpu.memory_space<vmem>>) dst(%dma_wait3A_215 : memref<50176x32xf32, #tpu.memory_space<vmem_shared>>)
          %dma_wait3A_216 = arith.constant 3 : i32
          %dma_wait3A_217 = arith.constant 0 : i32
          %dma_wait3A_218 = arith.constant 0 : i32
          %dma_wait3A_219 = tpu.memref_slice %arg10[%dma_wait3A_216, %dma_wait3A_217, %dma_wait3A_218] : memref<4x128x32xf32, #tpu.memory_space<vmem>> -> memref<1x128x32xf32, #tpu.memory_space<vmem>>
          %dma_wait3A_220 = tpu.memref_squeeze %dma_wait3A_219 : memref<1x128x32xf32, #tpu.memory_space<vmem>> -> memref<128x32xf32, #tpu.memory_space<vmem>>
          %dma_wait3A_221 = arith.constant 0 : i32
          %dma_wait3A_222 = tpu.memref_slice %arg9[%add3A_171, %dma_wait3A_221] : memref<28x128xi32, #tpu.memory_space<vmem>> -> memref<1x128xi32, #tpu.memory_space<vmem>>
          %dma_wait3A_223 = tpu.memref_squeeze %dma_wait3A_222 : memref<1x128xi32, #tpu.memory_space<vmem>> -> memref<128xi32, #tpu.memory_space<vmem>>
          %dma_wait3A_224 = arith.constant 0 : i32
          %dma_wait3A_225 = arith.constant 0 : i32
          %dma_wait3A_226 = tpu.memref_slice %arg12[%dma_wait3A_224, %dma_wait3A_225] : memref<50176x32xf32, #tpu.memory_space<vmem_shared>> -> memref<50176x32xf32, #tpu.memory_space<vmem_shared>>
          tpu.wait_indirect_dma semaphore(%arg14 : memref<!tpu.dma_semaphore, #tpu.memory_space<semaphore_mem>>) src(%dma_wait3A_220 : memref<128x32xf32, #tpu.memory_space<vmem>>) dst(%dma_wait3A_226 : memref<50176x32xf32, #tpu.memory_space<vmem_shared>>)
        }
        %scan3A_31 = arith.constant 7 : i32
      }
      %scan3A_17 = arith.constant 14 : i32
    } else {
    }
    %eq3A_3 = arith.constant 1 : i32
    %eq3A_4 = arith.cmpi eq, %arg0, %eq3A_3 : i32
    %convert_element_type3A_5 = arith.extui %eq3A_4 : i1 to i32
    %cond3A_6 = arith.constant 0 : i32
    %cond3A_7 = arith.cmpi ne, %convert_element_type3A_5, %cond3A_6 : i32
    scf.if %cond3A_7 {
      %scan3A_13 = arith.constant 0 : i32
      %scan3A_14 = arith.constant 14 : i32
      %scan3A_15 = arith.addi %scan3A_13, %scan3A_14 : i32
      %scan3A_16 = arith.constant 1 : i32
      scf.for %scan3A_18 = %scan3A_13 to %scan3A_15 step %scan3A_16  : i32 {
        %mul3A_19 = arith.constant 1 : i32
        %mul3A_20 = arith.muli %scan3A_18, %mul3A_19 : i32
        %add3A = arith.constant 0 : i32
        %add3A_21 = arith.addi %add3A, %mul3A_20 : i32
        %mul3A_22 = arith.constant 392 : i32
        %mul3A_23 = arith.muli %arg1, %mul3A_22 : i32
        %mul3A_24 = arith.constant 28 : i32
        %mul3A_25 = arith.muli %add3A_21, %mul3A_24 : i32
        %add3A_26 = arith.addi %mul3A_23, %mul3A_25 : i32
        "tpu.region"() ({
          %run_scoped3A = tpu.sem_alloc : memref<!tpu.dma_semaphore, #tpu.memory_space<semaphore_mem>>
          %dma_start3A = arith.constant 0 : i32
          %dma_start3A_32 = tpu.memref_slice %arg4[%add3A_26, %dma_start3A] : memref<6272x128xi32, #tpu.memory_space<hbm>> -> memref<28x128xi32, #tpu.memory_space<hbm>>
          %dma_start3A_33 = arith.constant 0 : i32
          %dma_start3A_34 = tpu.memref_slice %arg4[%add3A_26, %dma_start3A_33] : memref<6272x128xi32, #tpu.memory_space<hbm>> -> memref<28x128xi32, #tpu.memory_space<hbm>>
          tpu.enqueue_dma source(%dma_start3A_34 : memref<28x128xi32, #tpu.memory_space<hbm>>) target(%arg8 : memref<28x128xi32, #tpu.memory_space<vmem>>) target_semaphore(%run_scoped3A : memref<!tpu.dma_semaphore, #tpu.memory_space<semaphore_mem>>)
          %dma_wait3A = arith.constant 0 : i32
          %dma_wait3A_35 = tpu.memref_slice %arg4[%add3A_26, %dma_wait3A] : memref<6272x128xi32, #tpu.memory_space<hbm>> -> memref<28x128xi32, #tpu.memory_space<hbm>>
          %dma_wait3A_36 = arith.constant 0 : i32
          %dma_wait3A_37 = tpu.memref_slice %arg4[%add3A_26, %dma_wait3A_36] : memref<6272x128xi32, #tpu.memory_space<hbm>> -> memref<28x128xi32, #tpu.memory_space<hbm>>
          tpu.wait_dma2 semaphore(%run_scoped3A : memref<!tpu.dma_semaphore, #tpu.memory_space<semaphore_mem>>) src(%dma_wait3A_37 : memref<28x128xi32, #tpu.memory_space<hbm>>) dst(%arg8 : memref<28x128xi32, #tpu.memory_space<vmem>>)
          tpu.yield
        }) : () -> ()
        "tpu.region"() ({
          %run_scoped3A = tpu.sem_alloc : memref<!tpu.dma_semaphore, #tpu.memory_space<semaphore_mem>>
          %dma_start3A = arith.constant 0 : i32
          %dma_start3A_32 = tpu.memref_slice %arg5[%add3A_26, %dma_start3A] : memref<6272x128xi32, #tpu.memory_space<hbm>> -> memref<28x128xi32, #tpu.memory_space<hbm>>
          %dma_start3A_33 = arith.constant 0 : i32
          %dma_start3A_34 = tpu.memref_slice %arg5[%add3A_26, %dma_start3A_33] : memref<6272x128xi32, #tpu.memory_space<hbm>> -> memref<28x128xi32, #tpu.memory_space<hbm>>
          tpu.enqueue_dma source(%dma_start3A_34 : memref<28x128xi32, #tpu.memory_space<hbm>>) target(%arg9 : memref<28x128xi32, #tpu.memory_space<vmem>>) target_semaphore(%run_scoped3A : memref<!tpu.dma_semaphore, #tpu.memory_space<semaphore_mem>>)
          %dma_wait3A = arith.constant 0 : i32
          %dma_wait3A_35 = tpu.memref_slice %arg5[%add3A_26, %dma_wait3A] : memref<6272x128xi32, #tpu.memory_space<hbm>> -> memref<28x128xi32, #tpu.memory_space<hbm>>
          %dma_wait3A_36 = arith.constant 0 : i32
          %dma_wait3A_37 = tpu.memref_slice %arg5[%add3A_26, %dma_wait3A_36] : memref<6272x128xi32, #tpu.memory_space<hbm>> -> memref<28x128xi32, #tpu.memory_space<hbm>>
          tpu.wait_dma2 semaphore(%run_scoped3A : memref<!tpu.dma_semaphore, #tpu.memory_space<semaphore_mem>>) src(%dma_wait3A_37 : memref<28x128xi32, #tpu.memory_space<hbm>>) dst(%arg9 : memref<28x128xi32, #tpu.memory_space<vmem>>)
          tpu.yield
        }) : () -> ()
        %scan3A_27 = arith.constant 0 : i32
        %scan3A_28 = arith.constant 7 : i32
        %scan3A_29 = arith.addi %scan3A_27, %scan3A_28 : i32
        %scan3A_30 = arith.constant 1 : i32
        scf.for %scan3A_32 = %scan3A_27 to %scan3A_29 step %scan3A_30  : i32 {
          %mul3A_33 = arith.constant 4 : i32
          %mul3A_34 = arith.muli %scan3A_32, %mul3A_33 : i32
          %add3A_35 = arith.constant 0 : i32
          %add3A_36 = arith.addi %add3A_35, %mul3A_34 : i32
          %add3A_37 = arith.constant 0 : i32
          %add3A_38 = arith.addi %add3A_36, %add3A_37 : i32
          %dma_start3A = arith.constant 0 : i32
          %dma_start3A_39 = arith.constant 0 : i32
          %dma_start3A_40 = arith.constant 0 : i32
          %dma_start3A_41 = tpu.memref_slice %arg10[%dma_start3A, %dma_start3A_39, %dma_start3A_40] : memref<4x128x32xf32, #tpu.memory_space<vmem>> -> memref<1x128x32xf32, #tpu.memory_space<vmem>>
          %dma_start3A_42 = tpu.memref_squeeze %dma_start3A_41 : memref<1x128x32xf32, #tpu.memory_space<vmem>> -> memref<128x32xf32, #tpu.memory_space<vmem>>
          %dma_start3A_43 = arith.constant 0 : i32
          %dma_start3A_44 = tpu.memref_slice %arg8[%add3A_38, %dma_start3A_43] : memref<28x128xi32, #tpu.memory_space<vmem>> -> memref<1x128xi32, #tpu.memory_space<vmem>>
          %dma_start3A_45 = tpu.memref_squeeze %dma_start3A_44 : memref<1x128xi32, #tpu.memory_space<vmem>> -> memref<128xi32, #tpu.memory_space<vmem>>
          %dma_start3A_46 = arith.constant 0 : i32
          %dma_start3A_47 = arith.constant 0 : i32
          %dma_start3A_48 = tpu.memref_slice %arg3[%dma_start3A_46, %dma_start3A_47] : memref<50176x32xf32, #tpu.memory_space<hbm>> -> memref<50176x32xf32, #tpu.memory_space<hbm>>
          tpu.enqueue_indirect_dma source(%dma_start3A_48 : memref<50176x32xf32, #tpu.memory_space<hbm>>) target(%dma_start3A_42 : memref<128x32xf32, #tpu.memory_space<vmem>>) offsets(%dma_start3A_45 : memref<128xi32, #tpu.memory_space<vmem>>) semaphore(%arg13 : memref<!tpu.dma_semaphore, #tpu.memory_space<semaphore_mem>>)
          %add3A_49 = arith.constant 1 : i32
          %add3A_50 = arith.addi %add3A_36, %add3A_49 : i32
          %dma_start3A_51 = arith.constant 1 : i32
          %dma_start3A_52 = arith.constant 0 : i32
          %dma_start3A_53 = arith.constant 0 : i32
          %dma_start3A_54 = tpu.memref_slice %arg10[%dma_start3A_51, %dma_start3A_52, %dma_start3A_53] : memref<4x128x32xf32, #tpu.memory_space<vmem>> -> memref<1x128x32xf32, #tpu.memory_space<vmem>>
          %dma_start3A_55 = tpu.memref_squeeze %dma_start3A_54 : memref<1x128x32xf32, #tpu.memory_space<vmem>> -> memref<128x32xf32, #tpu.memory_space<vmem>>
          %dma_start3A_56 = arith.constant 0 : i32
          %dma_start3A_57 = tpu.memref_slice %arg8[%add3A_50, %dma_start3A_56] : memref<28x128xi32, #tpu.memory_space<vmem>> -> memref<1x128xi32, #tpu.memory_space<vmem>>
          %dma_start3A_58 = tpu.memref_squeeze %dma_start3A_57 : memref<1x128xi32, #tpu.memory_space<vmem>> -> memref<128xi32, #tpu.memory_space<vmem>>
          %dma_start3A_59 = arith.constant 0 : i32
          %dma_start3A_60 = arith.constant 0 : i32
          %dma_start3A_61 = tpu.memref_slice %arg3[%dma_start3A_59, %dma_start3A_60] : memref<50176x32xf32, #tpu.memory_space<hbm>> -> memref<50176x32xf32, #tpu.memory_space<hbm>>
          tpu.enqueue_indirect_dma source(%dma_start3A_61 : memref<50176x32xf32, #tpu.memory_space<hbm>>) target(%dma_start3A_55 : memref<128x32xf32, #tpu.memory_space<vmem>>) offsets(%dma_start3A_58 : memref<128xi32, #tpu.memory_space<vmem>>) semaphore(%arg13 : memref<!tpu.dma_semaphore, #tpu.memory_space<semaphore_mem>>)
          %add3A_62 = arith.constant 2 : i32
          %add3A_63 = arith.addi %add3A_36, %add3A_62 : i32
          %dma_start3A_64 = arith.constant 2 : i32
          %dma_start3A_65 = arith.constant 0 : i32
          %dma_start3A_66 = arith.constant 0 : i32
          %dma_start3A_67 = tpu.memref_slice %arg10[%dma_start3A_64, %dma_start3A_65, %dma_start3A_66] : memref<4x128x32xf32, #tpu.memory_space<vmem>> -> memref<1x128x32xf32, #tpu.memory_space<vmem>>
          %dma_start3A_68 = tpu.memref_squeeze %dma_start3A_67 : memref<1x128x32xf32, #tpu.memory_space<vmem>> -> memref<128x32xf32, #tpu.memory_space<vmem>>
          %dma_start3A_69 = arith.constant 0 : i32
          %dma_start3A_70 = tpu.memref_slice %arg8[%add3A_63, %dma_start3A_69] : memref<28x128xi32, #tpu.memory_space<vmem>> -> memref<1x128xi32, #tpu.memory_space<vmem>>
          %dma_start3A_71 = tpu.memref_squeeze %dma_start3A_70 : memref<1x128xi32, #tpu.memory_space<vmem>> -> memref<128xi32, #tpu.memory_space<vmem>>
          %dma_start3A_72 = arith.constant 0 : i32
          %dma_start3A_73 = arith.constant 0 : i32
          %dma_start3A_74 = tpu.memref_slice %arg3[%dma_start3A_72, %dma_start3A_73] : memref<50176x32xf32, #tpu.memory_space<hbm>> -> memref<50176x32xf32, #tpu.memory_space<hbm>>
          tpu.enqueue_indirect_dma source(%dma_start3A_74 : memref<50176x32xf32, #tpu.memory_space<hbm>>) target(%dma_start3A_68 : memref<128x32xf32, #tpu.memory_space<vmem>>) offsets(%dma_start3A_71 : memref<128xi32, #tpu.memory_space<vmem>>) semaphore(%arg13 : memref<!tpu.dma_semaphore, #tpu.memory_space<semaphore_mem>>)
          %add3A_75 = arith.constant 3 : i32
          %add3A_76 = arith.addi %add3A_36, %add3A_75 : i32
          %dma_start3A_77 = arith.constant 3 : i32
          %dma_start3A_78 = arith.constant 0 : i32
          %dma_start3A_79 = arith.constant 0 : i32
          %dma_start3A_80 = tpu.memref_slice %arg10[%dma_start3A_77, %dma_start3A_78, %dma_start3A_79] : memref<4x128x32xf32, #tpu.memory_space<vmem>> -> memref<1x128x32xf32, #tpu.memory_space<vmem>>
          %dma_start3A_81 = tpu.memref_squeeze %dma_start3A_80 : memref<1x128x32xf32, #tpu.memory_space<vmem>> -> memref<128x32xf32, #tpu.memory_space<vmem>>
          %dma_start3A_82 = arith.constant 0 : i32
          %dma_start3A_83 = tpu.memref_slice %arg8[%add3A_76, %dma_start3A_82] : memref<28x128xi32, #tpu.memory_space<vmem>> -> memref<1x128xi32, #tpu.memory_space<vmem>>
          %dma_start3A_84 = tpu.memref_squeeze %dma_start3A_83 : memref<1x128xi32, #tpu.memory_space<vmem>> -> memref<128xi32, #tpu.memory_space<vmem>>
          %dma_start3A_85 = arith.constant 0 : i32
          %dma_start3A_86 = arith.constant 0 : i32
          %dma_start3A_87 = tpu.memref_slice %arg3[%dma_start3A_85, %dma_start3A_86] : memref<50176x32xf32, #tpu.memory_space<hbm>> -> memref<50176x32xf32, #tpu.memory_space<hbm>>
          tpu.enqueue_indirect_dma source(%dma_start3A_87 : memref<50176x32xf32, #tpu.memory_space<hbm>>) target(%dma_start3A_81 : memref<128x32xf32, #tpu.memory_space<vmem>>) offsets(%dma_start3A_84 : memref<128xi32, #tpu.memory_space<vmem>>) semaphore(%arg13 : memref<!tpu.dma_semaphore, #tpu.memory_space<semaphore_mem>>)
          %dma_wait3A = arith.constant 0 : i32
          %dma_wait3A_88 = arith.constant 0 : i32
          %dma_wait3A_89 = arith.constant 0 : i32
          %dma_wait3A_90 = tpu.memref_slice %arg10[%dma_wait3A, %dma_wait3A_88, %dma_wait3A_89] : memref<4x128x32xf32, #tpu.memory_space<vmem>> -> memref<1x128x32xf32, #tpu.memory_space<vmem>>
          %dma_wait3A_91 = tpu.memref_squeeze %dma_wait3A_90 : memref<1x128x32xf32, #tpu.memory_space<vmem>> -> memref<128x32xf32, #tpu.memory_space<vmem>>
          %dma_wait3A_92 = arith.constant 0 : i32
          %dma_wait3A_93 = tpu.memref_slice %arg8[%add3A_38, %dma_wait3A_92] : memref<28x128xi32, #tpu.memory_space<vmem>> -> memref<1x128xi32, #tpu.memory_space<vmem>>
          %dma_wait3A_94 = tpu.memref_squeeze %dma_wait3A_93 : memref<1x128xi32, #tpu.memory_space<vmem>> -> memref<128xi32, #tpu.memory_space<vmem>>
          %dma_wait3A_95 = arith.constant 0 : i32
          %dma_wait3A_96 = arith.constant 0 : i32
          %dma_wait3A_97 = tpu.memref_slice %arg3[%dma_wait3A_95, %dma_wait3A_96] : memref<50176x32xf32, #tpu.memory_space<hbm>> -> memref<50176x32xf32, #tpu.memory_space<hbm>>
          tpu.wait_indirect_dma semaphore(%arg13 : memref<!tpu.dma_semaphore, #tpu.memory_space<semaphore_mem>>) src(%dma_wait3A_97 : memref<50176x32xf32, #tpu.memory_space<hbm>>) dst(%dma_wait3A_91 : memref<128x32xf32, #tpu.memory_space<vmem>>)
          %add3A_98 = arith.constant 0 : i32
          %add3A_99 = arith.addi %add3A_36, %add3A_98 : i32
          %dma_start3A_100 = arith.constant 0 : i32
          %dma_start3A_101 = arith.constant 0 : i32
          %dma_start3A_102 = arith.constant 0 : i32
          %dma_start3A_103 = tpu.memref_slice %arg10[%dma_start3A_100, %dma_start3A_101, %dma_start3A_102] : memref<4x128x32xf32, #tpu.memory_space<vmem>> -> memref<1x128x32xf32, #tpu.memory_space<vmem>>
          %dma_start3A_104 = tpu.memref_squeeze %dma_start3A_103 : memref<1x128x32xf32, #tpu.memory_space<vmem>> -> memref<128x32xf32, #tpu.memory_space<vmem>>
          %dma_start3A_105 = arith.constant 0 : i32
          %dma_start3A_106 = tpu.memref_slice %arg9[%add3A_99, %dma_start3A_105] : memref<28x128xi32, #tpu.memory_space<vmem>> -> memref<1x128xi32, #tpu.memory_space<vmem>>
          %dma_start3A_107 = tpu.memref_squeeze %dma_start3A_106 : memref<1x128xi32, #tpu.memory_space<vmem>> -> memref<128xi32, #tpu.memory_space<vmem>>
          %dma_start3A_108 = arith.constant 0 : i32
          %dma_start3A_109 = arith.constant 0 : i32
          %dma_start3A_110 = tpu.memref_slice %arg12[%dma_start3A_108, %dma_start3A_109] : memref<50176x32xf32, #tpu.memory_space<vmem_shared>> -> memref<50176x32xf32, #tpu.memory_space<vmem_shared>>
          tpu.enqueue_indirect_dma source(%dma_start3A_104 : memref<128x32xf32, #tpu.memory_space<vmem>>) target(%dma_start3A_110 : memref<50176x32xf32, #tpu.memory_space<vmem_shared>>) offsets(%dma_start3A_107 : memref<128xi32, #tpu.memory_space<vmem>>) semaphore(%arg14 : memref<!tpu.dma_semaphore, #tpu.memory_space<semaphore_mem>>) {add = true}
          %dma_wait3A_111 = arith.constant 1 : i32
          %dma_wait3A_112 = arith.constant 0 : i32
          %dma_wait3A_113 = arith.constant 0 : i32
          %dma_wait3A_114 = tpu.memref_slice %arg10[%dma_wait3A_111, %dma_wait3A_112, %dma_wait3A_113] : memref<4x128x32xf32, #tpu.memory_space<vmem>> -> memref<1x128x32xf32, #tpu.memory_space<vmem>>
          %dma_wait3A_115 = tpu.memref_squeeze %dma_wait3A_114 : memref<1x128x32xf32, #tpu.memory_space<vmem>> -> memref<128x32xf32, #tpu.memory_space<vmem>>
          %dma_wait3A_116 = arith.constant 0 : i32
          %dma_wait3A_117 = tpu.memref_slice %arg8[%add3A_50, %dma_wait3A_116] : memref<28x128xi32, #tpu.memory_space<vmem>> -> memref<1x128xi32, #tpu.memory_space<vmem>>
          %dma_wait3A_118 = tpu.memref_squeeze %dma_wait3A_117 : memref<1x128xi32, #tpu.memory_space<vmem>> -> memref<128xi32, #tpu.memory_space<vmem>>
          %dma_wait3A_119 = arith.constant 0 : i32
          %dma_wait3A_120 = arith.constant 0 : i32
          %dma_wait3A_121 = tpu.memref_slice %arg3[%dma_wait3A_119, %dma_wait3A_120] : memref<50176x32xf32, #tpu.memory_space<hbm>> -> memref<50176x32xf32, #tpu.memory_space<hbm>>
          tpu.wait_indirect_dma semaphore(%arg13 : memref<!tpu.dma_semaphore, #tpu.memory_space<semaphore_mem>>) src(%dma_wait3A_121 : memref<50176x32xf32, #tpu.memory_space<hbm>>) dst(%dma_wait3A_115 : memref<128x32xf32, #tpu.memory_space<vmem>>)
          %add3A_122 = arith.constant 1 : i32
          %add3A_123 = arith.addi %add3A_36, %add3A_122 : i32
          %dma_start3A_124 = arith.constant 1 : i32
          %dma_start3A_125 = arith.constant 0 : i32
          %dma_start3A_126 = arith.constant 0 : i32
          %dma_start3A_127 = tpu.memref_slice %arg10[%dma_start3A_124, %dma_start3A_125, %dma_start3A_126] : memref<4x128x32xf32, #tpu.memory_space<vmem>> -> memref<1x128x32xf32, #tpu.memory_space<vmem>>
          %dma_start3A_128 = tpu.memref_squeeze %dma_start3A_127 : memref<1x128x32xf32, #tpu.memory_space<vmem>> -> memref<128x32xf32, #tpu.memory_space<vmem>>
          %dma_start3A_129 = arith.constant 0 : i32
          %dma_start3A_130 = tpu.memref_slice %arg9[%add3A_123, %dma_start3A_129] : memref<28x128xi32, #tpu.memory_space<vmem>> -> memref<1x128xi32, #tpu.memory_space<vmem>>
          %dma_start3A_131 = tpu.memref_squeeze %dma_start3A_130 : memref<1x128xi32, #tpu.memory_space<vmem>> -> memref<128xi32, #tpu.memory_space<vmem>>
          %dma_start3A_132 = arith.constant 0 : i32
          %dma_start3A_133 = arith.constant 0 : i32
          %dma_start3A_134 = tpu.memref_slice %arg12[%dma_start3A_132, %dma_start3A_133] : memref<50176x32xf32, #tpu.memory_space<vmem_shared>> -> memref<50176x32xf32, #tpu.memory_space<vmem_shared>>
          tpu.enqueue_indirect_dma source(%dma_start3A_128 : memref<128x32xf32, #tpu.memory_space<vmem>>) target(%dma_start3A_134 : memref<50176x32xf32, #tpu.memory_space<vmem_shared>>) offsets(%dma_start3A_131 : memref<128xi32, #tpu.memory_space<vmem>>) semaphore(%arg14 : memref<!tpu.dma_semaphore, #tpu.memory_space<semaphore_mem>>) {add = true}
          %dma_wait3A_135 = arith.constant 2 : i32
          %dma_wait3A_136 = arith.constant 0 : i32
          %dma_wait3A_137 = arith.constant 0 : i32
          %dma_wait3A_138 = tpu.memref_slice %arg10[%dma_wait3A_135, %dma_wait3A_136, %dma_wait3A_137] : memref<4x128x32xf32, #tpu.memory_space<vmem>> -> memref<1x128x32xf32, #tpu.memory_space<vmem>>
          %dma_wait3A_139 = tpu.memref_squeeze %dma_wait3A_138 : memref<1x128x32xf32, #tpu.memory_space<vmem>> -> memref<128x32xf32, #tpu.memory_space<vmem>>
          %dma_wait3A_140 = arith.constant 0 : i32
          %dma_wait3A_141 = tpu.memref_slice %arg8[%add3A_63, %dma_wait3A_140] : memref<28x128xi32, #tpu.memory_space<vmem>> -> memref<1x128xi32, #tpu.memory_space<vmem>>
          %dma_wait3A_142 = tpu.memref_squeeze %dma_wait3A_141 : memref<1x128xi32, #tpu.memory_space<vmem>> -> memref<128xi32, #tpu.memory_space<vmem>>
          %dma_wait3A_143 = arith.constant 0 : i32
          %dma_wait3A_144 = arith.constant 0 : i32
          %dma_wait3A_145 = tpu.memref_slice %arg3[%dma_wait3A_143, %dma_wait3A_144] : memref<50176x32xf32, #tpu.memory_space<hbm>> -> memref<50176x32xf32, #tpu.memory_space<hbm>>
          tpu.wait_indirect_dma semaphore(%arg13 : memref<!tpu.dma_semaphore, #tpu.memory_space<semaphore_mem>>) src(%dma_wait3A_145 : memref<50176x32xf32, #tpu.memory_space<hbm>>) dst(%dma_wait3A_139 : memref<128x32xf32, #tpu.memory_space<vmem>>)
          %add3A_146 = arith.constant 2 : i32
          %add3A_147 = arith.addi %add3A_36, %add3A_146 : i32
          %dma_start3A_148 = arith.constant 2 : i32
          %dma_start3A_149 = arith.constant 0 : i32
          %dma_start3A_150 = arith.constant 0 : i32
          %dma_start3A_151 = tpu.memref_slice %arg10[%dma_start3A_148, %dma_start3A_149, %dma_start3A_150] : memref<4x128x32xf32, #tpu.memory_space<vmem>> -> memref<1x128x32xf32, #tpu.memory_space<vmem>>
          %dma_start3A_152 = tpu.memref_squeeze %dma_start3A_151 : memref<1x128x32xf32, #tpu.memory_space<vmem>> -> memref<128x32xf32, #tpu.memory_space<vmem>>
          %dma_start3A_153 = arith.constant 0 : i32
          %dma_start3A_154 = tpu.memref_slice %arg9[%add3A_147, %dma_start3A_153] : memref<28x128xi32, #tpu.memory_space<vmem>> -> memref<1x128xi32, #tpu.memory_space<vmem>>
          %dma_start3A_155 = tpu.memref_squeeze %dma_start3A_154 : memref<1x128xi32, #tpu.memory_space<vmem>> -> memref<128xi32, #tpu.memory_space<vmem>>
          %dma_start3A_156 = arith.constant 0 : i32
          %dma_start3A_157 = arith.constant 0 : i32
          %dma_start3A_158 = tpu.memref_slice %arg12[%dma_start3A_156, %dma_start3A_157] : memref<50176x32xf32, #tpu.memory_space<vmem_shared>> -> memref<50176x32xf32, #tpu.memory_space<vmem_shared>>
          tpu.enqueue_indirect_dma source(%dma_start3A_152 : memref<128x32xf32, #tpu.memory_space<vmem>>) target(%dma_start3A_158 : memref<50176x32xf32, #tpu.memory_space<vmem_shared>>) offsets(%dma_start3A_155 : memref<128xi32, #tpu.memory_space<vmem>>) semaphore(%arg14 : memref<!tpu.dma_semaphore, #tpu.memory_space<semaphore_mem>>) {add = true}
          %dma_wait3A_159 = arith.constant 3 : i32
          %dma_wait3A_160 = arith.constant 0 : i32
          %dma_wait3A_161 = arith.constant 0 : i32
          %dma_wait3A_162 = tpu.memref_slice %arg10[%dma_wait3A_159, %dma_wait3A_160, %dma_wait3A_161] : memref<4x128x32xf32, #tpu.memory_space<vmem>> -> memref<1x128x32xf32, #tpu.memory_space<vmem>>
          %dma_wait3A_163 = tpu.memref_squeeze %dma_wait3A_162 : memref<1x128x32xf32, #tpu.memory_space<vmem>> -> memref<128x32xf32, #tpu.memory_space<vmem>>
          %dma_wait3A_164 = arith.constant 0 : i32
          %dma_wait3A_165 = tpu.memref_slice %arg8[%add3A_76, %dma_wait3A_164] : memref<28x128xi32, #tpu.memory_space<vmem>> -> memref<1x128xi32, #tpu.memory_space<vmem>>
          %dma_wait3A_166 = tpu.memref_squeeze %dma_wait3A_165 : memref<1x128xi32, #tpu.memory_space<vmem>> -> memref<128xi32, #tpu.memory_space<vmem>>
          %dma_wait3A_167 = arith.constant 0 : i32
          %dma_wait3A_168 = arith.constant 0 : i32
          %dma_wait3A_169 = tpu.memref_slice %arg3[%dma_wait3A_167, %dma_wait3A_168] : memref<50176x32xf32, #tpu.memory_space<hbm>> -> memref<50176x32xf32, #tpu.memory_space<hbm>>
          tpu.wait_indirect_dma semaphore(%arg13 : memref<!tpu.dma_semaphore, #tpu.memory_space<semaphore_mem>>) src(%dma_wait3A_169 : memref<50176x32xf32, #tpu.memory_space<hbm>>) dst(%dma_wait3A_163 : memref<128x32xf32, #tpu.memory_space<vmem>>)
          %add3A_170 = arith.constant 3 : i32
          %add3A_171 = arith.addi %add3A_36, %add3A_170 : i32
          %dma_start3A_172 = arith.constant 3 : i32
          %dma_start3A_173 = arith.constant 0 : i32
          %dma_start3A_174 = arith.constant 0 : i32
          %dma_start3A_175 = tpu.memref_slice %arg10[%dma_start3A_172, %dma_start3A_173, %dma_start3A_174] : memref<4x128x32xf32, #tpu.memory_space<vmem>> -> memref<1x128x32xf32, #tpu.memory_space<vmem>>
          %dma_start3A_176 = tpu.memref_squeeze %dma_start3A_175 : memref<1x128x32xf32, #tpu.memory_space<vmem>> -> memref<128x32xf32, #tpu.memory_space<vmem>>
          %dma_start3A_177 = arith.constant 0 : i32
          %dma_start3A_178 = tpu.memref_slice %arg9[%add3A_171, %dma_start3A_177] : memref<28x128xi32, #tpu.memory_space<vmem>> -> memref<1x128xi32, #tpu.memory_space<vmem>>
          %dma_start3A_179 = tpu.memref_squeeze %dma_start3A_178 : memref<1x128xi32, #tpu.memory_space<vmem>> -> memref<128xi32, #tpu.memory_space<vmem>>
          %dma_start3A_180 = arith.constant 0 : i32
          %dma_start3A_181 = arith.constant 0 : i32
          %dma_start3A_182 = tpu.memref_slice %arg12[%dma_start3A_180, %dma_start3A_181] : memref<50176x32xf32, #tpu.memory_space<vmem_shared>> -> memref<50176x32xf32, #tpu.memory_space<vmem_shared>>
          tpu.enqueue_indirect_dma source(%dma_start3A_176 : memref<128x32xf32, #tpu.memory_space<vmem>>) target(%dma_start3A_182 : memref<50176x32xf32, #tpu.memory_space<vmem_shared>>) offsets(%dma_start3A_179 : memref<128xi32, #tpu.memory_space<vmem>>) semaphore(%arg14 : memref<!tpu.dma_semaphore, #tpu.memory_space<semaphore_mem>>) {add = true}
          %dma_wait3A_183 = arith.constant 0 : i32
          %dma_wait3A_184 = arith.constant 0 : i32
          %dma_wait3A_185 = arith.constant 0 : i32
          %dma_wait3A_186 = tpu.memref_slice %arg10[%dma_wait3A_183, %dma_wait3A_184, %dma_wait3A_185] : memref<4x128x32xf32, #tpu.memory_space<vmem>> -> memref<1x128x32xf32, #tpu.memory_space<vmem>>
          %dma_wait3A_187 = tpu.memref_squeeze %dma_wait3A_186 : memref<1x128x32xf32, #tpu.memory_space<vmem>> -> memref<128x32xf32, #tpu.memory_space<vmem>>
          %dma_wait3A_188 = arith.constant 0 : i32
          %dma_wait3A_189 = tpu.memref_slice %arg9[%add3A_99, %dma_wait3A_188] : memref<28x128xi32, #tpu.memory_space<vmem>> -> memref<1x128xi32, #tpu.memory_space<vmem>>
          %dma_wait3A_190 = tpu.memref_squeeze %dma_wait3A_189 : memref<1x128xi32, #tpu.memory_space<vmem>> -> memref<128xi32, #tpu.memory_space<vmem>>
          %dma_wait3A_191 = arith.constant 0 : i32
          %dma_wait3A_192 = arith.constant 0 : i32
          %dma_wait3A_193 = tpu.memref_slice %arg12[%dma_wait3A_191, %dma_wait3A_192] : memref<50176x32xf32, #tpu.memory_space<vmem_shared>> -> memref<50176x32xf32, #tpu.memory_space<vmem_shared>>
          tpu.wait_indirect_dma semaphore(%arg14 : memref<!tpu.dma_semaphore, #tpu.memory_space<semaphore_mem>>) src(%dma_wait3A_187 : memref<128x32xf32, #tpu.memory_space<vmem>>) dst(%dma_wait3A_193 : memref<50176x32xf32, #tpu.memory_space<vmem_shared>>)
          %dma_wait3A_194 = arith.constant 1 : i32
          %dma_wait3A_195 = arith.constant 0 : i32
          %dma_wait3A_196 = arith.constant 0 : i32
          %dma_wait3A_197 = tpu.memref_slice %arg10[%dma_wait3A_194, %dma_wait3A_195, %dma_wait3A_196] : memref<4x128x32xf32, #tpu.memory_space<vmem>> -> memref<1x128x32xf32, #tpu.memory_space<vmem>>
          %dma_wait3A_198 = tpu.memref_squeeze %dma_wait3A_197 : memref<1x128x32xf32, #tpu.memory_space<vmem>> -> memref<128x32xf32, #tpu.memory_space<vmem>>
          %dma_wait3A_199 = arith.constant 0 : i32
          %dma_wait3A_200 = tpu.memref_slice %arg9[%add3A_123, %dma_wait3A_199] : memref<28x128xi32, #tpu.memory_space<vmem>> -> memref<1x128xi32, #tpu.memory_space<vmem>>
          %dma_wait3A_201 = tpu.memref_squeeze %dma_wait3A_200 : memref<1x128xi32, #tpu.memory_space<vmem>> -> memref<128xi32, #tpu.memory_space<vmem>>
          %dma_wait3A_202 = arith.constant 0 : i32
          %dma_wait3A_203 = arith.constant 0 : i32
          %dma_wait3A_204 = tpu.memref_slice %arg12[%dma_wait3A_202, %dma_wait3A_203] : memref<50176x32xf32, #tpu.memory_space<vmem_shared>> -> memref<50176x32xf32, #tpu.memory_space<vmem_shared>>
          tpu.wait_indirect_dma semaphore(%arg14 : memref<!tpu.dma_semaphore, #tpu.memory_space<semaphore_mem>>) src(%dma_wait3A_198 : memref<128x32xf32, #tpu.memory_space<vmem>>) dst(%dma_wait3A_204 : memref<50176x32xf32, #tpu.memory_space<vmem_shared>>)
          %dma_wait3A_205 = arith.constant 2 : i32
          %dma_wait3A_206 = arith.constant 0 : i32
          %dma_wait3A_207 = arith.constant 0 : i32
          %dma_wait3A_208 = tpu.memref_slice %arg10[%dma_wait3A_205, %dma_wait3A_206, %dma_wait3A_207] : memref<4x128x32xf32, #tpu.memory_space<vmem>> -> memref<1x128x32xf32, #tpu.memory_space<vmem>>
          %dma_wait3A_209 = tpu.memref_squeeze %dma_wait3A_208 : memref<1x128x32xf32, #tpu.memory_space<vmem>> -> memref<128x32xf32, #tpu.memory_space<vmem>>
          %dma_wait3A_210 = arith.constant 0 : i32
          %dma_wait3A_211 = tpu.memref_slice %arg9[%add3A_147, %dma_wait3A_210] : memref<28x128xi32, #tpu.memory_space<vmem>> -> memref<1x128xi32, #tpu.memory_space<vmem>>
          %dma_wait3A_212 = tpu.memref_squeeze %dma_wait3A_211 : memref<1x128xi32, #tpu.memory_space<vmem>> -> memref<128xi32, #tpu.memory_space<vmem>>
          %dma_wait3A_213 = arith.constant 0 : i32
          %dma_wait3A_214 = arith.constant 0 : i32
          %dma_wait3A_215 = tpu.memref_slice %arg12[%dma_wait3A_213, %dma_wait3A_214] : memref<50176x32xf32, #tpu.memory_space<vmem_shared>> -> memref<50176x32xf32, #tpu.memory_space<vmem_shared>>
          tpu.wait_indirect_dma semaphore(%arg14 : memref<!tpu.dma_semaphore, #tpu.memory_space<semaphore_mem>>) src(%dma_wait3A_209 : memref<128x32xf32, #tpu.memory_space<vmem>>) dst(%dma_wait3A_215 : memref<50176x32xf32, #tpu.memory_space<vmem_shared>>)
          %dma_wait3A_216 = arith.constant 3 : i32
          %dma_wait3A_217 = arith.constant 0 : i32
          %dma_wait3A_218 = arith.constant 0 : i32
          %dma_wait3A_219 = tpu.memref_slice %arg10[%dma_wait3A_216, %dma_wait3A_217, %dma_wait3A_218] : memref<4x128x32xf32, #tpu.memory_space<vmem>> -> memref<1x128x32xf32, #tpu.memory_space<vmem>>
          %dma_wait3A_220 = tpu.memref_squeeze %dma_wait3A_219 : memref<1x128x32xf32, #tpu.memory_space<vmem>> -> memref<128x32xf32, #tpu.memory_space<vmem>>
          %dma_wait3A_221 = arith.constant 0 : i32
          %dma_wait3A_222 = tpu.memref_slice %arg9[%add3A_171, %dma_wait3A_221] : memref<28x128xi32, #tpu.memory_space<vmem>> -> memref<1x128xi32, #tpu.memory_space<vmem>>
          %dma_wait3A_223 = tpu.memref_squeeze %dma_wait3A_222 : memref<1x128xi32, #tpu.memory_space<vmem>> -> memref<128xi32, #tpu.memory_space<vmem>>
          %dma_wait3A_224 = arith.constant 0 : i32
          %dma_wait3A_225 = arith.constant 0 : i32
          %dma_wait3A_226 = tpu.memref_slice %arg12[%dma_wait3A_224, %dma_wait3A_225] : memref<50176x32xf32, #tpu.memory_space<vmem_shared>> -> memref<50176x32xf32, #tpu.memory_space<vmem_shared>>
          tpu.wait_indirect_dma semaphore(%arg14 : memref<!tpu.dma_semaphore, #tpu.memory_space<semaphore_mem>>) src(%dma_wait3A_220 : memref<128x32xf32, #tpu.memory_space<vmem>>) dst(%dma_wait3A_226 : memref<50176x32xf32, #tpu.memory_space<vmem_shared>>)
        }
        %scan3A_31 = arith.constant 7 : i32
      }
      %scan3A_17 = arith.constant 14 : i32
    } else {
    }
    %barrier3A_8 = arith.constant 0 : index
    tpu.barrier barrier_id(%barrier3A_8)
    %scan3A = arith.constant 0 : i32
    %scan3A_9 = arith.constant 32 : i32
    %scan3A_10 = arith.addi %scan3A, %scan3A_9 : i32
    %scan3A_11 = arith.constant 1 : i32
    scf.for %scan3A_13 = %scan3A to %scan3A_10 step %scan3A_11  : i32 {
      %mul3A_14 = arith.constant 1 : i32
      %mul3A_15 = arith.muli %scan3A_13, %mul3A_14 : i32
      %add3A = arith.constant 0 : i32
      %add3A_16 = arith.addi %add3A, %mul3A_15 : i32
      %mul3A_17 = arith.constant 98 : i32
      %mul3A_18 = arith.muli %add3A_16, %mul3A_17 : i32
      %add3A_19 = arith.addi %mul3A_0, %mul3A_18 : i32
      "tpu.region"() ({
        %run_scoped3A = tpu.sem_alloc : memref<!tpu.dma_semaphore, #tpu.memory_space<semaphore_mem>>
        %dma_start3A = arith.constant 0 : i32
        %dma_start3A_23 = tpu.memref_slice %arg12[%add3A_19, %dma_start3A] : memref<50176x32xf32, #tpu.memory_space<vmem_shared>> -> memref<98x32xf32, #tpu.memory_space<vmem_shared>>
        %dma_start3A_24 = arith.constant 0 : i32
        %dma_start3A_25 = tpu.memref_slice %arg12[%add3A_19, %dma_start3A_24] : memref<50176x32xf32, #tpu.memory_space<vmem_shared>> -> memref<98x32xf32, #tpu.memory_space<vmem_shared>>
        tpu.enqueue_dma source(%dma_start3A_25 : memref<98x32xf32, #tpu.memory_space<vmem_shared>>) target(%arg11 : memref<98x32xf32, #tpu.memory_space<vmem>>) target_semaphore(%run_scoped3A : memref<!tpu.dma_semaphore, #tpu.memory_space<semaphore_mem>>)
        %dma_wait3A = arith.constant 0 : i32
        %dma_wait3A_26 = tpu.memref_slice %arg12[%add3A_19, %dma_wait3A] : memref<50176x32xf32, #tpu.memory_space<vmem_shared>> -> memref<98x32xf32, #tpu.memory_space<vmem_shared>>
        %dma_wait3A_27 = arith.constant 0 : i32
        %dma_wait3A_28 = tpu.memref_slice %arg12[%add3A_19, %dma_wait3A_27] : memref<50176x32xf32, #tpu.memory_space<vmem_shared>> -> memref<98x32xf32, #tpu.memory_space<vmem_shared>>
        tpu.wait_dma2 semaphore(%run_scoped3A : memref<!tpu.dma_semaphore, #tpu.memory_space<semaphore_mem>>) src(%dma_wait3A_28 : memref<98x32xf32, #tpu.memory_space<vmem_shared>>) dst(%arg11 : memref<98x32xf32, #tpu.memory_space<vmem>>)
        tpu.yield
      }) : () -> ()
      %mul3A_20 = arith.constant 98 : i32
      %mul3A_21 = arith.muli %add3A_16, %mul3A_20 : i32
      %add3A_22 = arith.addi %mul3A_0, %mul3A_21 : i32
      "tpu.region"() ({
        %run_scoped3A = tpu.sem_alloc : memref<!tpu.dma_semaphore, #tpu.memory_space<semaphore_mem>>
        %dma_start3A = arith.constant 0 : i32
        %dma_start3A_23 = tpu.memref_slice %arg7[%arg0, %add3A_22, %dma_start3A] : memref<2x50176x32xf32, #tpu.memory_space<hbm>> -> memref<1x98x32xf32, #tpu.memory_space<hbm>>
        %dma_start3A_24 = tpu.memref_squeeze %dma_start3A_23 : memref<1x98x32xf32, #tpu.memory_space<hbm>> -> memref<98x32xf32, #tpu.memory_space<hbm>>
        %dma_start3A_25 = arith.constant 0 : i32
        %dma_start3A_26 = tpu.memref_slice %arg7[%arg0, %add3A_22, %dma_start3A_25] : memref<2x50176x32xf32, #tpu.memory_space<hbm>> -> memref<1x98x32xf32, #tpu.memory_space<hbm>>
        %dma_start3A_27 = tpu.memref_squeeze %dma_start3A_26 : memref<1x98x32xf32, #tpu.memory_space<hbm>> -> memref<98x32xf32, #tpu.memory_space<hbm>>
        tpu.enqueue_dma source(%arg11 : memref<98x32xf32, #tpu.memory_space<vmem>>) target(%dma_start3A_27 : memref<98x32xf32, #tpu.memory_space<hbm>>) target_semaphore(%run_scoped3A : memref<!tpu.dma_semaphore, #tpu.memory_space<semaphore_mem>>)
        %dma_wait3A = arith.constant 0 : i32
        %dma_wait3A_28 = tpu.memref_slice %arg7[%arg0, %add3A_22, %dma_wait3A] : memref<2x50176x32xf32, #tpu.memory_space<hbm>> -> memref<1x98x32xf32, #tpu.memory_space<hbm>>
        %dma_wait3A_29 = tpu.memref_squeeze %dma_wait3A_28 : memref<1x98x32xf32, #tpu.memory_space<hbm>> -> memref<98x32xf32, #tpu.memory_space<hbm>>
        %dma_wait3A_30 = arith.constant 0 : i32
        %dma_wait3A_31 = tpu.memref_slice %arg7[%arg0, %add3A_22, %dma_wait3A_30] : memref<2x50176x32xf32, #tpu.memory_space<hbm>> -> memref<1x98x32xf32, #tpu.memory_space<hbm>>
        %dma_wait3A_32 = tpu.memref_squeeze %dma_wait3A_31 : memref<1x98x32xf32, #tpu.memory_space<hbm>> -> memref<98x32xf32, #tpu.memory_space<hbm>>
        tpu.wait_dma2 semaphore(%run_scoped3A : memref<!tpu.dma_semaphore, #tpu.memory_space<semaphore_mem>>) src(%arg11 : memref<98x32xf32, #tpu.memory_space<vmem>>) dst(%dma_wait3A_32 : memref<98x32xf32, #tpu.memory_space<hbm>>)
        tpu.yield
      }) : () -> ()
    }
    %scan3A_12 = arith.constant 32 : i32
    return
  }
}

#map = affine_map<(d0, d1) -> (0)>
#map1 = affine_map<(d0, d1) -> (0, 0)>
module attributes {stable_mosaic.version = 14 : i64} {
  func.func @k(%arg0: i32, %arg1: i32, %arg2: memref<802816xi32, #tpu.memory_space<hbm>>, %arg3: memref<802816xi32, #tpu.memory_space<hbm>>, %arg4: memref<50176xf32, #tpu.memory_space<hbm>>, %arg5: memref<32x50176xf32, #tpu.memory_space<hbm>>, %arg6: memref<50176xf32, #tpu.memory_space<vmem>>, %arg7: memref<50176xf32, #tpu.memory_space<vmem>>, %arg8: memref<3584xi32, #tpu.memory_space<vmem>>, %arg9: memref<3584xi32, #tpu.memory_space<vmem>>) attributes {dimension_semantics = [#tpu.dimension_semantics<core_parallel>, #tpu.dimension_semantics<subcore_parallel>], iteration_bounds = array<i64: 2, 16>, scalar_prefetch = 0 : i64, scratch_operands = 4 : i64, tpu.core_type = #tpu.core_type<sc_vector_subcore>, window_params = [{transform_indices = #map}, {transform_indices = #map}, {transform_indices = #map}, {transform_indices = #map1}]} {
    %mul3A = arith.constant 16 : i32
    %mul3A_0 = arith.muli %arg0, %mul3A : i32
    %add3A = arith.addi %mul3A_0, %arg1 : i32
    %broadcast_in_dim3A = arith.constant 0.000000e+00 : f32
    %broadcast_in_dim3A_1 = vector.broadcast %broadcast_in_dim3A : f32 to vector<16xf32>
    "tpu.region"() ({
      %run_scoped3A = tpu.sem_alloc : memref<!tpu.dma_semaphore, #tpu.memory_space<semaphore_mem>>
      tpu.enqueue_dma source(%arg4 : memref<50176xf32, #tpu.memory_space<hbm>>) target(%arg6 : memref<50176xf32, #tpu.memory_space<vmem>>) target_semaphore(%run_scoped3A : memref<!tpu.dma_semaphore, #tpu.memory_space<semaphore_mem>>)
      tpu.wait_dma2 semaphore(%run_scoped3A : memref<!tpu.dma_semaphore, #tpu.memory_space<semaphore_mem>>) src(%arg4 : memref<50176xf32, #tpu.memory_space<hbm>>) dst(%arg6 : memref<50176xf32, #tpu.memory_space<vmem>>)
      tpu.yield
    }) : () -> ()
    %scan3A = arith.constant 0 : i32
    %scan3A_2 = arith.constant 3136 : i32
    %scan3A_3 = arith.addi %scan3A, %scan3A_2 : i32
    %scan3A_4 = arith.constant 1 : i32
    scf.for %scan3A_11 = %scan3A to %scan3A_3 step %scan3A_4  : i32 {
      %mul3A_12 = arith.constant 16 : i32
      %mul3A_13 = arith.muli %scan3A_11, %mul3A_12 : i32
      %add3A_14 = arith.constant 0 : i32
      %add3A_15 = arith.addi %add3A_14, %mul3A_13 : i32
      %swap3A = arith.index_cast %add3A_15 : i32 to index
      %swap3A_16 = tpu.vector_load %arg7[%swap3A] {strides = array<i32>} : memref<50176xf32, #tpu.memory_space<vmem>>, vector<16xf32>,
      tpu.vector_store %arg7[%swap3A], %broadcast_in_dim3A_1 {strides = array<i32>} : memref<50176xf32, #tpu.memory_space<vmem>>, vector<16xf32>,
    }
    %scan3A_5 = arith.constant 3136 : i32
    %scan3A_6 = arith.constant 0 : i32
    %scan3A_7 = arith.constant 7 : i32
    %scan3A_8 = arith.addi %scan3A_6, %scan3A_7 : i32
    %scan3A_9 = arith.constant 1 : i32
    scf.for %scan3A_11 = %scan3A_6 to %scan3A_8 step %scan3A_9  : i32 {
      %mul3A_12 = arith.constant 1 : i32
      %mul3A_13 = arith.muli %scan3A_11, %mul3A_12 : i32
      %add3A_14 = arith.constant 0 : i32
      %add3A_15 = arith.addi %add3A_14, %mul3A_13 : i32
      %mul3A_16 = arith.constant 196 : i32
      %mul3A_17 = arith.muli %add3A, %mul3A_16 : i32
      %mul3A_18 = arith.constant 28 : i32
      %mul3A_19 = arith.muli %add3A_15, %mul3A_18 : i32
      %add3A_20 = arith.addi %mul3A_17, %mul3A_19 : i32
      %mul3A_21 = arith.constant 128 : i32
      %mul3A_22 = arith.muli %add3A_20, %mul3A_21 : i32
      "tpu.region"() ({
        %run_scoped3A = tpu.sem_alloc : memref<!tpu.dma_semaphore, #tpu.memory_space<semaphore_mem>>
        %dma_start3A = tpu.memref_slice %arg2[%mul3A_22] : memref<802816xi32, #tpu.memory_space<hbm>> -> memref<3584xi32, #tpu.memory_space<hbm>>
        %dma_start3A_28 = tpu.memref_slice %arg2[%mul3A_22] : memref<802816xi32, #tpu.memory_space<hbm>> -> memref<3584xi32, #tpu.memory_space<hbm>>
        tpu.enqueue_dma source(%dma_start3A_28 : memref<3584xi32, #tpu.memory_space<hbm>>) target(%arg8 : memref<3584xi32, #tpu.memory_space<vmem>>) target_semaphore(%run_scoped3A : memref<!tpu.dma_semaphore, #tpu.memory_space<semaphore_mem>>)
        %dma_wait3A = tpu.memref_slice %arg2[%mul3A_22] : memref<802816xi32, #tpu.memory_space<hbm>> -> memref<3584xi32, #tpu.memory_space<hbm>>
        %dma_wait3A_29 = tpu.memref_slice %arg2[%mul3A_22] : memref<802816xi32, #tpu.memory_space<hbm>> -> memref<3584xi32, #tpu.memory_space<hbm>>
        tpu.wait_dma2 semaphore(%run_scoped3A : memref<!tpu.dma_semaphore, #tpu.memory_space<semaphore_mem>>) src(%dma_wait3A_29 : memref<3584xi32, #tpu.memory_space<hbm>>) dst(%arg8 : memref<3584xi32, #tpu.memory_space<vmem>>)
        tpu.yield
      }) : () -> ()
      "tpu.region"() ({
        %run_scoped3A = tpu.sem_alloc : memref<!tpu.dma_semaphore, #tpu.memory_space<semaphore_mem>>
        %dma_start3A = tpu.memref_slice %arg3[%mul3A_22] : memref<802816xi32, #tpu.memory_space<hbm>> -> memref<3584xi32, #tpu.memory_space<hbm>>
        %dma_start3A_28 = tpu.memref_slice %arg3[%mul3A_22] : memref<802816xi32, #tpu.memory_space<hbm>> -> memref<3584xi32, #tpu.memory_space<hbm>>
        tpu.enqueue_dma source(%dma_start3A_28 : memref<3584xi32, #tpu.memory_space<hbm>>) target(%arg9 : memref<3584xi32, #tpu.memory_space<vmem>>) target_semaphore(%run_scoped3A : memref<!tpu.dma_semaphore, #tpu.memory_space<semaphore_mem>>)
        %dma_wait3A = tpu.memref_slice %arg3[%mul3A_22] : memref<802816xi32, #tpu.memory_space<hbm>> -> memref<3584xi32, #tpu.memory_space<hbm>>
        %dma_wait3A_29 = tpu.memref_slice %arg3[%mul3A_22] : memref<802816xi32, #tpu.memory_space<hbm>> -> memref<3584xi32, #tpu.memory_space<hbm>>
        tpu.wait_dma2 semaphore(%run_scoped3A : memref<!tpu.dma_semaphore, #tpu.memory_space<semaphore_mem>>) src(%dma_wait3A_29 : memref<3584xi32, #tpu.memory_space<hbm>>) dst(%arg9 : memref<3584xi32, #tpu.memory_space<vmem>>)
        tpu.yield
      }) : () -> ()
      %scan3A_23 = arith.constant 0 : i32
      %scan3A_24 = arith.constant 224 : i32
      %scan3A_25 = arith.addi %scan3A_23, %scan3A_24 : i32
      %scan3A_26 = arith.constant 1 : i32
      scf.for %scan3A_28 = %scan3A_23 to %scan3A_25 step %scan3A_26  : i32 {
        %mul3A_29 = arith.constant 16 : i32
        %mul3A_30 = arith.muli %scan3A_28, %mul3A_29 : i32
        %add3A_31 = arith.constant 0 : i32
        %add3A_32 = arith.addi %add3A_31, %mul3A_30 : i32
        %get3A = arith.index_cast %add3A_32 : i32 to index
        %get3A_33 = tpu.vector_load %arg9[%get3A] {strides = array<i32>} : memref<3584xi32, #tpu.memory_space<vmem>>, vector<16xi32>,
        %gather3A = tpu.vector_load_idx %arg6[%get3A_33] : memref<50176xf32, #tpu.memory_space<vmem>>[vector<16xi32>], vector<16xf32>,
        %get3A_34 = arith.index_cast %add3A_32 : i32 to index
        %get3A_35 = tpu.vector_load %arg8[%get3A_34] {strides = array<i32>} : memref<3584xi32, #tpu.memory_space<vmem>>, vector<16xi32>,
        tpu.vector_store_idx %arg7[%get3A_35], %gather3A {add = true} : memref<50176xf32, #tpu.memory_space<vmem>>[vector<16xi32>], vector<16xf32>,
      }
      %scan3A_27 = arith.constant 224 : i32
    }
    %scan3A_10 = arith.constant 7 : i32
    "tpu.region"() ({
      %run_scoped3A = tpu.sem_alloc : memref<!tpu.dma_semaphore, #tpu.memory_space<semaphore_mem>>
      %dma_start3A = arith.constant 0 : i32
      %dma_start3A_11 = tpu.memref_slice %arg5[%add3A, %dma_start3A] : memref<32x50176xf32, #tpu.memory_space<hbm>> -> memref<1x50176xf32, #tpu.memory_space<hbm>>
      %dma_start3A_12 = tpu.memref_squeeze %dma_start3A_11 : memref<1x50176xf32, #tpu.memory_space<hbm>> -> memref<50176xf32, #tpu.memory_space<hbm>>
      %dma_start3A_13 = arith.constant 0 : i32
      %dma_start3A_14 = tpu.memref_slice %arg5[%add3A, %dma_start3A_13] : memref<32x50176xf32, #tpu.memory_space<hbm>> -> memref<1x50176xf32, #tpu.memory_space<hbm>>
      %dma_start3A_15 = tpu.memref_squeeze %dma_start3A_14 : memref<1x50176xf32, #tpu.memory_space<hbm>> -> memref<50176xf32, #tpu.memory_space<hbm>>
      tpu.enqueue_dma source(%arg7 : memref<50176xf32, #tpu.memory_space<vmem>>) target(%dma_start3A_15 : memref<50176xf32, #tpu.memory_space<hbm>>) target_semaphore(%run_scoped3A : memref<!tpu.dma_semaphore, #tpu.memory_space<semaphore_mem>>)
      %dma_wait3A = arith.constant 0 : i32
      %dma_wait3A_16 = tpu.memref_slice %arg5[%add3A, %dma_wait3A] : memref<32x50176xf32, #tpu.memory_space<hbm>> -> memref<1x50176xf32, #tpu.memory_space<hbm>>
      %dma_wait3A_17 = tpu.memref_squeeze %dma_wait3A_16 : memref<1x50176xf32, #tpu.memory_space<hbm>> -> memref<50176xf32, #tpu.memory_space<hbm>>
      %dma_wait3A_18 = arith.constant 0 : i32
      %dma_wait3A_19 = tpu.memref_slice %arg5[%add3A, %dma_wait3A_18] : memref<32x50176xf32, #tpu.memory_space<hbm>> -> memref<1x50176xf32, #tpu.memory_space<hbm>>
      %dma_wait3A_20 = tpu.memref_squeeze %dma_wait3A_19 : memref<1x50176xf32, #tpu.memory_space<hbm>> -> memref<50176xf32, #tpu.memory_space<hbm>>
      tpu.wait_dma2 semaphore(%run_scoped3A : memref<!tpu.dma_semaphore, #tpu.memory_space<semaphore_mem>>) src(%arg7 : memref<50176xf32, #tpu.memory_space<vmem>>) dst(%dma_wait3A_20 : memref<50176xf32, #tpu.memory_space<hbm>>)
      tpu.yield
    }) : () -> ()
    return
  }
}

module attributes {stable_mosaic.version = 14 : i64} {
  func.func @body(%arg0: i32, %arg1: memref<1792x64xf32, #tpu.memory_space<vmem>>, %arg2: memref<64x64xf32, #tpu.memory_space<vmem>>, %arg3: memref<1792x64xf32, #tpu.memory_space<vmem>>) attributes {dimension_semantics = [#tpu.dimension_semantics<arbitrary>], iteration_bounds = array<i64: 28>, scalar_prefetch = 0 : i64, scratch_operands = 0 : i64, tpu.core_type = #tpu.core_type<tc>, window_params = [{transform_indices = @transform_0, window_bounds = array<i64: 1792, 64>}, {pipeline_mode = #tpu.pipeline_mode<synchronous>, transform_indices = @transform_1, window_bounds = array<i64: 64, 64>}, {transform_indices = @transform_2, window_bounds = array<i64: 1792, 64>}]} {
    %get3A = arith.constant 0 : index
    %get3A_0 = arith.constant 0 : index
    %get3A_1 = vector.load %arg1[%get3A, %get3A_0] : memref<1792x64xf32, #tpu.memory_space<vmem>>, vector<1792x64xf32>
    %get3A_2 = arith.constant 0 : index
    %get3A_3 = arith.constant 0 : index
    %get3A_4 = vector.load %arg2[%get3A_2, %get3A_3] : memref<64x64xf32, #tpu.memory_space<vmem>>, vector<64x64xf32>
    %dot_general3A = arith.constant dense<0.000000e+00> : vector<1792x64xf32>
    %dot_general3A_5 = tpu.matmul %get3A_1, %get3A_4, %dot_general3A {dimension_numbers = #tpu.dot_dimension_numbers<[1], [1], [0], [0], [0, 0, 1, 0], [], []>, transpose_lhs_hint = false} : vector<1792x64xf32>, vector<64x64xf32>, vector<1792x64xf32> -> vector<1792x64xf32>
    %swap3A = arith.constant 0 : index
    %swap3A_6 = arith.constant 0 : index
    %swap3A_7 = vector.load %arg3[%swap3A, %swap3A_6] : memref<1792x64xf32, #tpu.memory_space<vmem>>, vector<1792x64xf32>
    tpu.vector_store %arg3[%swap3A, %swap3A_6], %dot_general3A_5 {strides = array<i32>} : memref<1792x64xf32, #tpu.memory_space<vmem>>, vector<1792x64xf32>,
    return
  }
  func.func @transform_0(%arg0: i32) -> (i32, i32) {
    %c0_i32 = arith.constant 0 : i32
    %c0_i32_0 = arith.constant 0 : i32
    return %arg0, %c0_i32 : i32, i32
  }
  func.func @transform_1(%arg0: i32) -> (i32, i32) {
    %c0_i32 = arith.constant 0 : i32
    %c0_i32_0 = arith.constant 0 : i32
    %c0_i32_1 = arith.constant 0 : i32
    return %c0_i32, %c0_i32_0 : i32, i32
  }
  func.func @transform_2(%arg0: i32) -> (i32, i32) {
    %c0_i32 = arith.constant 0 : i32
    %c0_i32_0 = arith.constant 0 : i32
    return %arg0, %c0_i32 : i32, i32
  }
}

module attributes {stable_mosaic.version = 14 : i64} {
  func.func @body(%arg0: i32, %arg1: memref<32x1792xf32, #tpu.memory_space<vmem>>, %arg2: memref<1792x64xf32, #tpu.memory_space<vmem>>, %arg3: memref<1792x1xf32, #tpu.memory_space<vmem>>, %arg4: memref<50176xf32, #tpu.memory_space<vmem>>, %arg5: memref<1792x32xf32, #tpu.memory_space<vmem>>, %arg6: memref<1792x32xf32, #tpu.memory_space<vmem>>) attributes {dimension_semantics = [#tpu.dimension_semantics<arbitrary>], iteration_bounds = array<i64: 28>, scalar_prefetch = 0 : i64, scratch_operands = 0 : i64, tpu.core_type = #tpu.core_type<tc>, window_params = [{transform_indices = @transform_0, window_bounds = array<i64: 32, 1792>}, {transform_indices = @transform_1, window_bounds = array<i64: 1792, 64>}, {transform_indices = @transform_2, window_bounds = array<i64: 1792, 1>}, {pipeline_mode = #tpu.pipeline_mode<synchronous>, transform_indices = @transform_3, window_bounds = array<i64: 50176>}, {transform_indices = @transform_4, window_bounds = array<i64: 1792, 32>}, {transform_indices = @transform_5, window_bounds = array<i64: 1792, 32>}]} {
    %get3A = arith.constant 0 : index
    %get3A_0 = arith.constant 0 : index
    %get3A_1 = vector.load %arg1[%get3A, %get3A_0] : memref<32x1792xf32, #tpu.memory_space<vmem>>, vector<32x1792xf32>
    %reduce_sum3A = arith.constant dense<0.000000e+00> : vector<1792xf32>
    %reduce_sum3A_2 = vector.multi_reduction <add>, %get3A_1, %reduce_sum3A [0] : vector<32x1792xf32> to vector<1792xf32>
    %add3A = arith.constant 1.000000e+00 : f32
    %add3A_3 = vector.broadcast %add3A : f32 to vector<1792xf32>
    %add3A_4 = arith.addf %reduce_sum3A_2, %add3A_3 : vector<1792xf32>
    %rsqrt3A = math.rsqrt %add3A_4 : vector<1792xf32>
    %broadcast_in_dim3A = vector.shape_cast %rsqrt3A : vector<1792xf32> to vector<1792x1xf32>
    %swap3A = arith.constant 0 : index
    %swap3A_5 = arith.constant 0 : index
    %swap3A_6 = vector.load %arg3[%swap3A, %swap3A_5] : memref<1792x1xf32, #tpu.memory_space<vmem>>, vector<1792x1xf32>
    tpu.vector_store %arg3[%swap3A, %swap3A_5], %broadcast_in_dim3A {strides = array<i32>} : memref<1792x1xf32, #tpu.memory_space<vmem>>, vector<1792x1xf32>,
    %mul3A = arith.constant 1792 : i32
    %mul3A_7 = arith.muli %arg0, %mul3A : i32
    %swap3A_8 = arith.index_cast %mul3A_7 : i32 to index
    %swap3A_9 = vector.load %arg4[%swap3A_8] : memref<50176xf32, #tpu.memory_space<vmem>>, vector<1792xf32>
    tpu.vector_store %arg4[%swap3A_8], %rsqrt3A {strides = array<i32>} : memref<50176xf32, #tpu.memory_space<vmem>>, vector<1792xf32>,
    %iota3A = tpu.iota {dimensions = array<i32: 0>} : vector<1792x1xi32>
    %mul3A_10 = arith.constant 1792 : i32
    %mul3A_11 = arith.muli %arg0, %mul3A_10 : i32
    %add3A_12 = vector.broadcast %mul3A_11 : i32 to vector<1792x1xi32>
    %add3A_13 = arith.addi %iota3A, %add3A_12 : vector<1792x1xi32>
    %lt3A = arith.constant 50000 : i32
    %lt3A_14 = vector.broadcast %lt3A : i32 to vector<1792x1xi32>
    %lt3A_15 = arith.cmpi slt, %add3A_13, %lt3A_14 : vector<1792x1xi32>
    %get3A_16 = arith.constant 0 : index
    %get3A_17 = arith.constant 0 : index
    %get3A_18 = vector.load %arg2[%get3A_16, %get3A_17] : memref<1792x64xf32, #tpu.memory_space<vmem>>, vector<1792x64xf32>
    %mul3A_19 = vector.broadcast %broadcast_in_dim3A : vector<1792x1xf32> to vector<1792x64xf32>
    %mul3A_20 = arith.mulf %get3A_18, %mul3A_19 : vector<1792x64xf32>
    %jit3A = arith.constant 0.000000e+00 : f32
    %broadcast_in_dim3A_21 = vector.shape_cast %lt3A_15 : vector<1792x1xi1> to vector<1792x1xi1>
    %broadcast_in_dim3A_22 = vector.broadcast %broadcast_in_dim3A_21 : vector<1792x1xi1> to vector<1792x64xi1>
    %broadcast_in_dim3A_23 = vector.broadcast %jit3A : f32 to vector<1792x64xf32>
    %select_n3A = arith.select %broadcast_in_dim3A_22, %mul3A_20, %broadcast_in_dim3A_23 : vector<1792x64xi1>, vector<1792x64xf32>
    %slice3A = vector.extract_strided_slice %select_n3A {offsets = [0, 0], sizes = [1792, 32], strides = [1, 1]} : vector<1792x64xf32> to vector<1792x32xf32>
    %swap3A_24 = arith.constant 0 : index
    %swap3A_25 = arith.constant 0 : index
    %swap3A_26 = vector.load %arg5[%swap3A_24, %swap3A_25] : memref<1792x32xf32, #tpu.memory_space<vmem>>, vector<1792x32xf32>
    tpu.vector_store %arg5[%swap3A_24, %swap3A_25], %slice3A {strides = array<i32>} : memref<1792x32xf32, #tpu.memory_space<vmem>>, vector<1792x32xf32>,
    %slice3A_27 = vector.extract_strided_slice %select_n3A {offsets = [0, 32], sizes = [1792, 32], strides = [1, 1]} : vector<1792x64xf32> to vector<1792x32xf32>
    %swap3A_28 = arith.constant 0 : index
    %swap3A_29 = arith.constant 0 : index
    %swap3A_30 = vector.load %arg6[%swap3A_28, %swap3A_29] : memref<1792x32xf32, #tpu.memory_space<vmem>>, vector<1792x32xf32>
    tpu.vector_store %arg6[%swap3A_28, %swap3A_29], %slice3A_27 {strides = array<i32>} : memref<1792x32xf32, #tpu.memory_space<vmem>>, vector<1792x32xf32>,
    return
  }
  func.func @transform_0(%arg0: i32) -> (i32, i32) {
    %c0_i32 = arith.constant 0 : i32
    %c0_i32_0 = arith.constant 0 : i32
    return %c0_i32, %arg0 : i32, i32
  }
  func.func @transform_1(%arg0: i32) -> (i32, i32) {
    %c0_i32 = arith.constant 0 : i32
    %c0_i32_0 = arith.constant 0 : i32
    return %arg0, %c0_i32 : i32, i32
  }
  func.func @transform_2(%arg0: i32) -> (i32, i32) {
    %c0_i32 = arith.constant 0 : i32
    %c0_i32_0 = arith.constant 0 : i32
    return %arg0, %c0_i32 : i32, i32
  }
  func.func @transform_3(%arg0: i32) -> i32 {
    %c0_i32 = arith.constant 0 : i32
    %c0_i32_0 = arith.constant 0 : i32
    return %c0_i32 : i32
  }
  func.func @transform_4(%arg0: i32) -> (i32, i32) {
    %c0_i32 = arith.constant 0 : i32
    %c0_i32_0 = arith.constant 0 : i32
    return %arg0, %c0_i32 : i32, i32
  }
  func.func @transform_5(%arg0: i32) -> (i32, i32) {
    %c0_i32 = arith.constant 0 : i32
    %c0_i32_0 = arith.constant 0 : i32
    return %arg0, %c0_i32 : i32, i32
  }
}

module attributes {stable_mosaic.version = 14 : i64} {
  func.func @body(%arg0: i32, %arg1: memref<2x1792x32xf32, #tpu.memory_space<vmem>>, %arg2: memref<1792x32xf32, #tpu.memory_space<vmem>>, %arg3: memref<1792x32xf32, #tpu.memory_space<vmem>>, %arg4: memref<1792x1xf32, #tpu.memory_space<vmem>>, %arg5: memref<32x1792xf32, #tpu.memory_space<vmem>>, %arg6: memref<1x64xf32, #tpu.memory_space<vmem>>, %arg7: memref<64x6xf32, #tpu.memory_space<vmem>>, %arg8: memref<1x6xf32, #tpu.memory_space<vmem>>, %arg9: memref<1x6xf32, #tpu.memory_space<vmem>>, %arg10: memref<1x64xf32, #tpu.memory_space<vmem>>) attributes {dimension_semantics = [#tpu.dimension_semantics<arbitrary>], iteration_bounds = array<i64: 28>, scalar_prefetch = 0 : i64, scratch_operands = 1 : i64, tpu.core_type = #tpu.core_type<tc>, window_params = [{transform_indices = @transform_0, window_bounds = array<i64: 2, 1792, 32>}, {transform_indices = @transform_1, window_bounds = array<i64: 1792, 32>}, {transform_indices = @transform_2, window_bounds = array<i64: 1792, 32>}, {transform_indices = @transform_3, window_bounds = array<i64: 1792, 1>}, {transform_indices = @transform_4, window_bounds = array<i64: 32, 1792>}, {pipeline_mode = #tpu.pipeline_mode<synchronous>, transform_indices = @transform_5, window_bounds = array<i64: 1, 64>}, {pipeline_mode = #tpu.pipeline_mode<synchronous>, transform_indices = @transform_6, window_bounds = array<i64: 64, 6>}, {pipeline_mode = #tpu.pipeline_mode<synchronous>, transform_indices = @transform_7, window_bounds = array<i64: 1, 6>}, {pipeline_mode = #tpu.pipeline_mode<synchronous>, transform_indices = @transform_8, window_bounds = array<i64: 1, 6>}]} {
    %get3A = arith.constant 0 : index
    %get3A_0 = arith.constant 0 : index
    %get3A_1 = vector.load %arg4[%get3A, %get3A_0] : memref<1792x1xf32, #tpu.memory_space<vmem>>, vector<1792x1xf32>
    %get3A_2 = arith.constant 0 : index
    %get3A_3 = arith.constant 0 : index
    %get3A_4 = arith.constant 0 : index
    %get3A_5 = vector.load %arg1[%get3A_2, %get3A_3, %get3A_4] : memref<2x1792x32xf32, #tpu.memory_space<vmem>>, vector<1x1792x32xf32>
    %get3A_6 = vector.shape_cast %get3A_5 : vector<1x1792x32xf32> to vector<1792x32xf32>
    %get3A_7 = arith.constant 0 : index
    %get3A_8 = arith.constant 0 : index
    %get3A_9 = vector.load %arg2[%get3A_7, %get3A_8] : memref<1792x32xf32, #tpu.memory_space<vmem>>, vector<1792x32xf32>
    %add3A = arith.addf %get3A_6, %get3A_9 : vector<1792x32xf32>
    %mul3A = vector.broadcast %get3A_1 : vector<1792x1xf32> to vector<1792x32xf32>
    %mul3A_10 = arith.mulf %add3A, %mul3A : vector<1792x32xf32>
    %get3A_11 = arith.constant 1 : index
    %get3A_12 = arith.constant 0 : index
    %get3A_13 = arith.constant 0 : index
    %get3A_14 = vector.load %arg1[%get3A_11, %get3A_12, %get3A_13] : memref<2x1792x32xf32, #tpu.memory_space<vmem>>, vector<1x1792x32xf32>
    %get3A_15 = vector.shape_cast %get3A_14 : vector<1x1792x32xf32> to vector<1792x32xf32>
    %get3A_16 = arith.constant 0 : index
    %get3A_17 = arith.constant 0 : index
    %get3A_18 = vector.load %arg3[%get3A_16, %get3A_17] : memref<1792x32xf32, #tpu.memory_space<vmem>>, vector<1792x32xf32>
    %add3A_19 = arith.addf %get3A_15, %get3A_18 : vector<1792x32xf32>
    %mul3A_20 = vector.broadcast %get3A_1 : vector<1792x1xf32> to vector<1792x32xf32>
    %mul3A_21 = arith.mulf %add3A_19, %mul3A_20 : vector<1792x32xf32>
    %concatenate3A = tpu.concatenate %mul3A_10, %mul3A_21 in 1 : vector<1792x32xf32>, vector<1792x32xf32> -> vector<1792x64xf32>
    %get3A_22 = arith.constant 0 : index
    %get3A_23 = arith.constant 0 : index
    %get3A_24 = vector.load %arg6[%get3A_22, %get3A_23] : memref<1x64xf32, #tpu.memory_space<vmem>>, vector<1x64xf32>
    %add3A_25 = vector.broadcast %get3A_24 : vector<1x64xf32> to vector<1792x64xf32>
    %add3A_26 = arith.addf %concatenate3A, %add3A_25 : vector<1792x64xf32>
    %max3A = arith.constant 0.000000e+00 : f32
    %max3A_27 = vector.broadcast %max3A : f32 to vector<1792x64xf32>
    %max3A_28 = arith.maximumf %add3A_26, %max3A_27 : vector<1792x64xf32>
    %get3A_29 = arith.constant 0 : index
    %get3A_30 = arith.constant 0 : index
    %get3A_31 = vector.load %arg5[%get3A_29, %get3A_30] : memref<32x1792xf32, #tpu.memory_space<vmem>>, vector<32x1792xf32>
    %reduce_sum3A = arith.constant dense<0.000000e+00> : vector<1792xf32>
    %reduce_sum3A_32 = vector.multi_reduction <add>, %get3A_31, %reduce_sum3A [0] : vector<32x1792xf32> to vector<1792xf32>
    %broadcast_in_dim3A = vector.shape_cast %reduce_sum3A_32 : vector<1792xf32> to vector<1792x1xf32>
    %add3A_33 = arith.addf %broadcast_in_dim3A, %get3A_1 : vector<1792x1xf32>
    %mul3A_34 = arith.mulf %get3A_1, %add3A_33 : vector<1792x1xf32>
    %iota3A = tpu.iota {dimensions = array<i32: 0>} : vector<1792x1xi32>
    %mul3A_35 = arith.constant 1792 : i32
    %mul3A_36 = arith.muli %arg0, %mul3A_35 : i32
    %add3A_37 = vector.broadcast %mul3A_36 : i32 to vector<1792x1xi32>
    %add3A_38 = arith.addi %iota3A, %add3A_37 : vector<1792x1xi32>
    %lt3A = arith.constant 50000 : i32
    %lt3A_39 = vector.broadcast %lt3A : i32 to vector<1792x1xi32>
    %lt3A_40 = arith.cmpi slt, %add3A_38, %lt3A_39 : vector<1792x1xi32>
    %jit3A = arith.constant 0.000000e+00 : f32
    %broadcast_in_dim3A_41 = vector.broadcast %jit3A : f32 to vector<1792x1xf32>
    %select_n3A = arith.select %lt3A_40, %mul3A_34, %broadcast_in_dim3A_41 : vector<1792x1xi1>, vector<1792x1xf32>
    %mul3A_42 = vector.broadcast %select_n3A : vector<1792x1xf32> to vector<1792x64xf32>
    %mul3A_43 = arith.mulf %max3A_28, %mul3A_42 : vector<1792x64xf32>
    %reduce_sum3A_44 = arith.constant dense<0.000000e+00> : vector<64xf32>
    %reduce_sum3A_45 = vector.multi_reduction <add>, %mul3A_43, %reduce_sum3A_44 [0] : vector<1792x64xf32> to vector<64xf32>
    %broadcast_in_dim3A_46 = vector.shape_cast %reduce_sum3A_45 : vector<64xf32> to vector<1x64xf32>
    %eq3A = arith.constant 0 : i32
    %eq3A_47 = arith.cmpi eq, %arg0, %eq3A : i32
    %convert_element_type3A = arith.extui %eq3A_47 : i1 to i32
    %cond3A = arith.constant 0 : i32
    %cond3A_48 = arith.cmpi ne, %convert_element_type3A, %cond3A : i32
    scf.if %cond3A_48 {
      %swap3A = arith.constant 0 : index
      %swap3A_58 = arith.constant 0 : index
      %swap3A_59 = vector.load %arg10[%swap3A, %swap3A_58] : memref<1x64xf32, #tpu.memory_space<vmem>>, vector<1x64xf32>
      tpu.vector_store %arg10[%swap3A, %swap3A_58], %broadcast_in_dim3A_46 {strides = array<i32>} : memref<1x64xf32, #tpu.memory_space<vmem>>, vector<1x64xf32>,
    } else {
    }
    %gt3A = arith.constant 0 : i32
    %gt3A_49 = arith.cmpi sgt, %arg0, %gt3A : i32
    %convert_element_type3A_50 = arith.extui %gt3A_49 : i1 to i32
    %cond3A_51 = arith.constant 0 : i32
    %cond3A_52 = arith.cmpi ne, %convert_element_type3A_50, %cond3A_51 : i32
    scf.if %cond3A_52 {
      %get3A_58 = arith.constant 0 : index
      %get3A_59 = arith.constant 0 : index
      %get3A_60 = vector.load %arg10[%get3A_58, %get3A_59] : memref<1x64xf32, #tpu.memory_space<vmem>>, vector<1x64xf32>
      %add3A_61 = arith.addf %get3A_60, %broadcast_in_dim3A_46 : vector<1x64xf32>
      %swap3A = arith.constant 0 : index
      %swap3A_62 = arith.constant 0 : index
      %swap3A_63 = vector.load %arg10[%swap3A, %swap3A_62] : memref<1x64xf32, #tpu.memory_space<vmem>>, vector<1x64xf32>
      tpu.vector_store %arg10[%swap3A, %swap3A_62], %add3A_61 {strides = array<i32>} : memref<1x64xf32, #tpu.memory_space<vmem>>, vector<1x64xf32>,
    } else {
    }
    %eq3A_53 = arith.constant 27 : i32
    %eq3A_54 = arith.cmpi eq, %arg0, %eq3A_53 : i32
    %convert_element_type3A_55 = arith.extui %eq3A_54 : i1 to i32
    %cond3A_56 = arith.constant 0 : i32
    %cond3A_57 = arith.cmpi ne, %convert_element_type3A_55, %cond3A_56 : i32
    scf.if %cond3A_57 {
      %get3A_58 = arith.constant 0 : index
      %get3A_59 = arith.constant 0 : index
      %get3A_60 = vector.load %arg10[%get3A_58, %get3A_59] : memref<1x64xf32, #tpu.memory_space<vmem>>, vector<1x64xf32>
      %mul3A_61 = arith.constant 2.000000e-05 : f32
      %mul3A_62 = vector.broadcast %mul3A_61 : f32 to vector<1x64xf32>
      %mul3A_63 = arith.mulf %get3A_60, %mul3A_62 : vector<1x64xf32>
      %get3A_64 = arith.constant 0 : index
      %get3A_65 = arith.constant 0 : index
      %get3A_66 = vector.load %arg7[%get3A_64, %get3A_65] : memref<64x6xf32, #tpu.memory_space<vmem>>, vector<64x6xf32>
      %dot_general3A = arith.constant dense<0.000000e+00> : vector<1x6xf32>
      %dot_general3A_67 = tpu.matmul %mul3A_63, %get3A_66, %dot_general3A {dimension_numbers = #tpu.dot_dimension_numbers<[1], [0], [0], [1], [0, 0, 1, 1], [], []>, transpose_lhs_hint = false} : vector<1x64xf32>, vector<64x6xf32>, vector<1x6xf32> -> vector<1x6xf32>
      %get3A_68 = arith.constant 0 : index
      %get3A_69 = arith.constant 0 : index
      %get3A_70 = vector.load %arg8[%get3A_68, %get3A_69] : memref<1x6xf32, #tpu.memory_space<vmem>>, vector<1x6xf32>
      %add3A_71 = arith.addf %dot_general3A_67, %get3A_70 : vector<1x6xf32>
      %swap3A = arith.constant 0 : index
      %swap3A_72 = arith.constant 0 : index
      %swap3A_73 = vector.load %arg9[%swap3A, %swap3A_72] : memref<1x6xf32, #tpu.memory_space<vmem>>, vector<1x6xf32>
      tpu.vector_store %arg9[%swap3A, %swap3A_72], %add3A_71 {strides = array<i32>} : memref<1x6xf32, #tpu.memory_space<vmem>>, vector<1x6xf32>,
    } else {
    }
    return
  }
  func.func @transform_0(%arg0: i32) -> (i32, i32, i32) {
    %c0_i32 = arith.constant 0 : i32
    %c0_i32_0 = arith.constant 0 : i32
    %c0_i32_1 = arith.constant 0 : i32
    return %c0_i32, %arg0, %c0_i32_0 : i32, i32, i32
  }
  func.func @transform_1(%arg0: i32) -> (i32, i32) {
    %c0_i32 = arith.constant 0 : i32
    %c0_i32_0 = arith.constant 0 : i32
    return %arg0, %c0_i32 : i32, i32
  }
  func.func @transform_2(%arg0: i32) -> (i32, i32) {
    %c0_i32 = arith.constant 0 : i32
    %c0_i32_0 = arith.constant 0 : i32
    return %arg0, %c0_i32 : i32, i32
  }
  func.func @transform_3(%arg0: i32) -> (i32, i32) {
    %c0_i32 = arith.constant 0 : i32
    %c0_i32_0 = arith.constant 0 : i32
    return %arg0, %c0_i32 : i32, i32
  }
  func.func @transform_4(%arg0: i32) -> (i32, i32) {
    %c0_i32 = arith.constant 0 : i32
    %c0_i32_0 = arith.constant 0 : i32
    return %c0_i32, %arg0 : i32, i32
  }
  func.func @transform_5(%arg0: i32) -> (i32, i32) {
    %c0_i32 = arith.constant 0 : i32
    %c0_i32_0 = arith.constant 0 : i32
    %c0_i32_1 = arith.constant 0 : i32
    return %c0_i32, %c0_i32_0 : i32, i32
  }
  func.func @transform_6(%arg0: i32) -> (i32, i32) {
    %c0_i32 = arith.constant 0 : i32
    %c0_i32_0 = arith.constant 0 : i32
    %c0_i32_1 = arith.constant 0 : i32
    return %c0_i32, %c0_i32_0 : i32, i32
  }
  func.func @transform_7(%arg0: i32) -> (i32, i32) {
    %c0_i32 = arith.constant 0 : i32
    %c0_i32_0 = arith.constant 0 : i32
    %c0_i32_1 = arith.constant 0 : i32
    return %c0_i32, %c0_i32_0 : i32, i32
  }
  func.func @transform_8(%arg0: i32) -> (i32, i32) {
    %c0_i32 = arith.constant 0 : i32
    %c0_i32_0 = arith.constant 0 : i32
    %c0_i32_1 = arith.constant 0 : i32
    return %c0_i32, %c0_i32_0 : i32, i32
  }
}

</mosaic_0001>

<sc_bundles>
// kernel: kernel.11.cloned.1.call-start
scs
__scs_entry_jumppad:
0x0: {  	(pc) =	sbr.rel $0x88, $3  }
0x1: {  	(tag) =	ssettag $0x0;
	lr =	simm.s32 $0x1  }
0x2: {  	[smem:$0x3F9B] =	sst lr;
	_ =	strace $0xD0000000  }
0x3: {  	_ = 	snop  }
0x4: {  	_ = 	snop  }
0x5: {  	_ = 	snop  }
0x6: {  	_ = 	snop  }
0x7: {  	_ = 	snop  }
__scs_overlays_trampoline_lowered:
0x8: {  	[smem:$0x3FAA] =	sst s0  }
0x9: {  	[smem:$0x3FAB] =	sst s1  }
0xa: {  	[smem:$0x3FAC] =	sst s2  }
0xb: {  	[smem:$0x3FAD] =	sst s3  }
0xc: {  	[smem:$0x3FAE] =	sst s4  }
0xd: {  	[smem:$0x3FAF] =	sst s5  }
0xe: {  	[smem:$0x3FB0] =	sst s6  }
0xf: {  	[smem:$0x3FB1] =	sst s7  }
0x10: {  	[smem:$0x3FB2] =	sst s8  }
0x11: {  	[smem:$0x3FB3] =	sst s9;
	s0 =	simm.s32 @!p0 $0x0  }
0x12: {  	s1 =	sld [smem:$0x3F99];
	s0 =	simm.s32 @p0 $0x1  }
0x13: {  	[smem:$0x3FB4] =	sst s0;
	s0 =	simm.s32 @!p1 $0x0  }
0x14: {  	s2 =	sld [smem:$0x3F98];
	s0 =	simm.s32 @p1 $0x1  }
0x15: {  	[smem:$0x3FB5] =	sst s0;
	s0 =	simm.s32 @!p2 $0x0  }
0x16: {  	s3 =	sld [smem:$0x3FDB];
	s0 =	simm.s32 @p2 $0x1  }
0x17: {  	s4 =	simm.s32 $0x1BF5;
	[smem:$0x3FB7] =	sst s0  }
0x18: {  	s0 =	sld [smem:$0x3F9A];
	_ =	swait.ge [sflag:s4], $0x0  }
0x19: {  	s7 =	sld [smem:$0x3F9B]  }
0x1a: {  	s8 =	sadd.s32 $0xFFFFE003, lr  }
0x1b: {  	s9 =	sadd.s32 $0xFFFFFEF7, lr;
	s5 =	simm.s32 $0xFFFFFFFF;
	p2 =	slt.u32 s8, $0xFFFFF086  }
0x1c: {  	p1 =	slt.u32 s9, $0xF7A;
	s5 =	simm.s32 @!p2 $0x0  }
0x1d: {  	s5 =	simm.s32 @p1 $0x1;
	p0 =	seq.s32 s7, s2  }
0x1e: {  	s7 =	smul.u32 @!p0 $0xF7A, s2;
	p2 =	seq.s32 @!p0 s5, $0x0  }
0x1f: {  	s9 =	smul.u32 $0xF7A, s1;
	s8 =	simm.s32 @!p0 $0x1BF5;
	p2 =	por !p2, p0  }
0x20: {  	[sflag:s8] =	ssyncset.s32 @!p0 $0xFFFFF086;
	s6 =	sadd.s32 @!p0 s3, s7;
	s7 =	simm.s32 @!p0 $0x108  }
0x21: {  	s3 =	sadd.s32 s3, s9;
	s6 =	sadd.s32 @!p0 $0x88, s6;
	s7 =	simm.s32 @p2 $0x1082  }
0x22: {  	[simem:s7], [sflag:s8] =	dma.local @!p0 [hbm:s6], $0xF7A  }
0x23: {  	s9 =	sor.u32 $0xD0000000, s2;
	s6 =	simm.s32 $0x108;
	_ =	swait.ge @!p0 [sflag:s8], $0x0  }
0x24: {  	s3 =	sadd.s32 $0x88, s3;
	s6 =	simm.s32 @!p1 $0x1082;
	[sflag:s4] =	ssyncset.s32 $0xFFFFF086  }
0x25: {  	[simem:s6], [sflag:s4] =	dma.local [hbm:s3], $0xF7A  }
0x26: {  	[smem:$0x3F9B] =	sst s1;
	(tag) =	ssettag s2;
	_ =	strace s9  }
0x27: {  	s1 =	sld [smem:$0x3FAB]  }
0x28: {  	s2 =	sld [smem:$0x3FAC]  }
0x29: {  	s4 =	sld [smem:$0x3FAE]  }
0x2a: {  	p0 =	seq.s32 s5, $0x0;
	s5 =	sld [smem:$0x3FAF]  }
0x2b: {  	s6 =	sld [smem:$0x3FB0]  }
0x2c: {  	s7 =	sld [smem:$0x3FB1]  }
0x2d: {  	s3 =	simm.s32 $0x108;
	s8 =	sld [smem:$0x3FB2]  }
0x2e: {  	s3 =	simm.s32 @!p0 $0x1082;
	s9 =	sld [smem:$0x3FB3]  }
0x2f: {  	lr =	sadd.s32 s0, s3;
	s0 =	sld [smem:$0x3FAA]  }
0x30: {  	s3 =	sld [smem:$0x3FAD]  }
0x31: {  	[smem:$0x3FB6] =	sst s10  }
0x32: {  	s10 =	sld [smem:$0x3FB4];
	_ =	sdelay $0x3  }
0x33: {  	p0 =	seq.s32 s10, $0x1;
	s10 =	sld [smem:$0x3FB6];
	_ =	sdelay $0x3  }
0x34: {  	[smem:$0x3FB6] =	sst s10  }
0x35: {  	s10 =	sld [smem:$0x3FB5];
	_ =	sdelay $0x3  }
0x36: {  	p1 =	seq.s32 s10, $0x1;
	s10 =	sld [smem:$0x3FB6];
	_ =	sdelay $0x3  }
0x37: {  	[smem:$0x3FB6] =	sst s10  }
0x38: {  	s10 =	sld [smem:$0x3FB7]  }
0x39: {  	_ = 	snop;
	(pc) =	sbr.ind lr, $3  }
0x3a: {  	_ = 	snop  }
0x3b: {  	_ = 	snop  }
0x3c: {  	p2 =	seq.s32 s10, $0x1;
	s10 =	sld [smem:$0x3FB6]  }
0x3d: {  	_ =	shalt  }
0x3e: {  	_ =	shalt  }
0x3f: {  	_ =	shalt  }
0x40: {  	_ =	shalt  }
0x41: {  	_ =	shalt  }
0x42: {  	_ =	shalt  }
0x43: {  	_ =	shalt  }
0x44: {  	_ =	shalt  }
0x45: {  	_ =	shalt  }
0x46: {  	_ =	shalt  }
0x47: {  	_ =	shalt  }
0x48: {  	_ =	shalt  }
0x49: {  	_ =	shalt  }
0x4a: {  	_ =	shalt  }
0x4b: {  	_ =	shalt  }
0x4c: {  	_ =	shalt  }
0x4d: {  	_ =	shalt  }
0x4e: {  	_ =	shalt  }
0x4f: {  	_ =	shalt  }
0x50: {  	_ =	shalt  }
0x51: {  	_ =	shalt  }
0x52: {  	_ =	shalt  }
0x53: {  	_ =	shalt  }
0x54: {  	_ =	shalt  }
0x55: {  	_ =	shalt  }
0x56: {  	_ =	shalt  }
0x57: {  	_ =	shalt  }
0x58: {  	_ =	shalt  }
0x59: {  	_ =	shalt  }
0x5a: {  	_ =	shalt  }
0x5b: {  	_ =	shalt  }
0x5c: {  	_ =	shalt  }
0x5d: {  	_ =	shalt  }
0x5e: {  	_ =	shalt  }
0x5f: {  	_ =	shalt  }
0x60: {  	_ =	shalt  }
0x61: {  	_ =	shalt  }
0x62: {  	_ =	shalt  }
0x63: {  	_ =	shalt  }
0x64: {  	_ =	shalt  }
0x65: {  	_ =	shalt  }
0x66: {  	_ =	shalt  }
0x67: {  	_ =	shalt  }
0x68: {  	_ =	shalt  }
0x69: {  	_ =	shalt  }
0x6a: {  	_ =	shalt  }
0x6b: {  	_ =	shalt  }
0x6c: {  	_ =	shalt  }
0x6d: {  	_ =	shalt  }
0x6e: {  	_ =	shalt  }
0x6f: {  	_ =	shalt  }
0x70: {  	_ =	shalt  }
0x71: {  	_ =	shalt  }
0x72: {  	_ =	shalt  }
0x73: {  	_ =	shalt  }
0x74: {  	_ =	shalt  }
0x75: {  	_ =	shalt  }
0x76: {  	_ =	shalt  }
0x77: {  	_ =	shalt  }
0x78: {  	_ =	shalt  }
0x79: {  	_ =	shalt  }
0x7a: {  	_ =	shalt  }
0x7b: {  	_ =	shalt  }
0x7c: {  	_ =	shalt  }
0x7d: {  	_ =	shalt  }
0x7e: {  	_ =	shalt  }
0x7f: {  	_ =	shalt  }
0x80: {  	_ =	shalt  }
0x81: {  	_ =	shalt  }
0x82: {  	_ =	shalt  }
0x83: {  	_ =	shalt  }
0x84: {  	_ =	shalt  }
0x85: {  	_ =	shalt  }
0x86: {  	_ =	shalt  }
0x87: {  	_ =	shalt  }
.Lfunc_end0:
.L_simem_size_0:
called_computation.1_lowered:
.L_overlay_start_0:
0x88: {  	s2 =	sld [smem:$0x3FD9]  }
0x89: {  	s3 =	sld [smem:$0x3FFE];
	_ =	sdelay $0x1  }
0x8a: {  	s1 =	srdreg.scid  }
0x8b: {  	s0 =	sand.u32 $0x1, s1  }
0x8c: {  	s17 =	sshll.u32 s0, $0xA;
	s2 =	sadd.s32 s3, s2  }
0x8d: {  	s2 =	sadd.s32 s2, s17  }
0x8e: {  	[smem:$0x3FC2] =	sst s2  }
0x8f: {  	_ = 	snop  }
0x90: {  	(tm) =	ssettm $0x1  }
0x91: {  	s18 =	sld [smem:$0x3FFB];
	_ =	sdelay $0x3  }
0x92: {  	_ =	strace s18  }
0x93: {  	s2 =	sld [smem:$0x3FFC];
	_ =	sdelay $0x3  }
0x94: {  	_ =	strace s2  }
0x95: {  	s2 =	sld [smem:$0x3FFD];
	_ =	sdelay $0x3  }
0x96: {  	_ =	strace s2  }
0x97: {  	_ =	strace $0x8FFFFFFF  }
0x98: {  	s19 =	sld [smem:$0x3FDB];
	_ =	sdelay $0x1  }
0x99: {  	s20 =	simm.s32 $_scs_section_size  }
0x9a: {  	s4 =	simm.s32 $_size__tile_overlayer_lowered;
	s5 =	simm.s32 $_tile_overlayer_lowered  }
0x9b: {  	s6 =	simm.s32 $0x1BFF;
	s21 =	sshll.u32 s5, $0x1;
	s3 =	sadd.s32 s20, s19  }
0x9c: {  	s22 =	simm.s32 $0x0;
	s4 =	sshll.u32 s4, $0x1;
	s5 =	sadd.s32 s21, s3  }
0x9d: {  	[timem:s22], [sflag:s6] =	dma.local [hbm:s5], s4  }
0x9e: {  	_ =	swait.ge [sflag:s6], s4  }
0x9f: {  	s4 =	ssub.s32 $0x0, s4;
	[sflag:s6] =	ssyncset.done $0x0  }
0xa0: {  	[sflag:s6] =	ssyncadd.s32 s4;
	_ =	sdelay $0x1  }
0xa1: {  	s23 =	simm.s32 $0x1B8B  }
0xa2: {  	_ =	swait.ge [sflag:s23], $0x1  }
0xa3: {  	[sflag:s23] =	ssyncset.done $0x0  }
0xa4: {  	[sflag:s23] =	ssyncadd.s32 $0xFFFFFFFF  }
0xa5: {  	s4 =	sld [smem:$0x0]  }
0xa6: {  	s5 =	sand.u32 $0xFFFFFFFE, s1  }
0xa7: {  	p0 =	sne.s32 s1, s5  }
0xa8: {  	s5 =	sshll.u32 @p0 s5, $0xE  }
0xa9: {  	s5 =	sadd.s32 @p0 $0x11B8D, s5;
	s6 =	sshll.u32 @p0 s4, $0x11  }
0xaa: {  	s5 =	sor.u32 @p0 s6, s5  }
0xab: {  	[sflag:s5] =	ssyncadd.remote.s32 @p0 $0x1;
	_ =	sdelay $0x1  }
0xac: {  	s5 =	simm.s32 @p0 $0x1B8D  }
0xad: {  	_ =	swait.eq @p0 [sflag:s5], $0x1  }
0xae: {  	[sflag:s5] =	ssyncadd.s32 @p0 $0xFFFFFFFF  }
0xaf: {  	s6 =	sshll.u32 @!p0 s1, $0xE  }
0xb0: {  	s6 =	sor.u32 @!p0 $0x4000, s6;
	s5 =	simm.s32 @!p0 $0x1B8D  }
0xb1: {  	s4 =	sshll.u32 @!p0 s4, $0x11;
	s6 =	sadd.s32 @!p0 $0x11B8D, s6;
	_ =	swait.eq @!p0 [sflag:s5], $0x1  }
0xb2: {  	s4 =	sor.u32 @!p0 s4, s6;
	[sflag:s5] =	ssyncadd.s32 @!p0 $0xFFFFFFFF  }
0xb3: {  	s25 =	simm.s32 $0x1B8E;
	s24 =	sld [smem:$0x3FFE];
	[sflag:s4] =	ssyncadd.remote.s32 @!p0 $0x1  }
0xb4: {  	s26 =	simm.s32 $execute0_lowered;
	[smem:$0x3FD2] =	sst s25  }
0xb5: {  	s5 =	sshll.u32 s26, $0x1;
	_ =	strace $0x8000004C;
	[dreg:$0x1] =	wrdreg $0xFFFFFFFF  }
0xb6: {  	s28 =	simm.s32 $_size_execute0_lowered;
	s3 =	sadd.s32 s3, s5;
	[dreg:$0x0] =	wrdreg $0x0  }
0xb7: {  	s5 =	sshll.u32 s28, $0x1;
	[dreg:$0x2] =	wrdreg s3  }
0xb8: {  	[dreg:$0x3] =	wrdreg s5  }
0xb9: {  	[dreg:$0x4] =	wrdreg $0xC0  }
0xba: {  	_ =	task [dreg:s22], $0x5FFFF  }
0xbb: {  	[dreg:$0x1] =	wrdreg $0xFFFFFFFF  }
0xbc: {  	[dreg:$0x0] =	wrdreg $0x60  }
0xbd: {  	[dreg:$0x2] =	wrdreg s24  }
0xbe: {  	[dreg:$0x3] =	wrdreg $0x68400  }
0xbf: {  	[dreg:$0x4] =	wrdreg $0x9  }
0xc0: {  	_ =	task.clear_ibuf [dreg:s22], $0x5FFFF;
	_ =	strace $0x9000004C  }
0xc1: {  	s29 =	simm.s32 $0x9;
	_ =	strace $0x8000004E  }
0xc2: {  	_ =	swait.ge [sflag:s29], $0x1  }
0xc3: {  	[sflag:s29] =	ssyncadd.s32 $0xFFFFFFFF  }
0xc4: {  	_ =	strace $0x9000004E  }
0xc5: {  	_ =	sfence  }
0xc6: {  	s30 =	sld [smem:$0x0];
	_ =	sdelay $0x2  }
0xc7: {  	s31 =	sshll.u32 s1, $0xD;
	s1 =	sshrl.u32 s1, $0x2  }
0xc8: {  	s4 =	sand.u32 $0x4000, s31;
	s1 =	sadd.s32 s1, s30  }
0xc9: {  	s0 =	sor.u32 s4, s0;
	s1 =	sshll.u32 s1, $0x11  }
0xca: {  	s0 =	sor.u32 s1, s0  }
0xcb: {  	s0 =	sadd.s32 $0x8F2B, s0  }
0xcc: {  	[sflag:s0] =	ssyncadd.remote.s32 $0x1  }
0xcd: {  	_ =	sfence.sel $0xFFFF  }
0xce: {  	[dreg:$0x0] =	wrdreg $0xFFFFFFFF;
	(pc) =	sbr.abs _section_cstart, $3  }
0xcf: {  	[dreg:$0x1] =	wrdreg $0xFFFFFFFF  }
0xd0: {  	_ =	task.clear_ibuf [dreg:s22], $0x2FFFF;
	_ =	strace $0x9FFFFFFF  }
0xd1: {  	(tm) =	ssettm $0x7FFFFFFF  }
tec
execute0_lowered:
.L_overlay_start_1:
0x0: {  	(tag) =	ssettag $0x1  }
0x1: {  	s9 =	rddreg [dreg:$0x0]  }
0x2: {  	s1 =	rddreg [dreg:$0x1]  }
0x3: {  	s0 =	rddreg [dreg:$0x2];
	s3 =	simm.s32 $0x0  }
0x4: {  	s2 =	srdreg.scid;
	s15 =	simm.s32 $0x3;
	s16 =	simm.s32 $0xE00  }
0x5: {  	s17 =	simm.s32 $0x80;
	s18 =	simm.s32 $0x1C00;
	s19 =	simm.s32 $0x2C00  }
0x6: {  	s20 =	simm.s32 $0x3C00;
	s21 =	simm.s32 $0x4C00;
	s22 =	simm.s32 $0x1  }
0x7: {  	s23 =	simm.s32 $0x2;
	s24 =	simm.s32 $0x5C00;
	s25 =	simm.s32 $0x0  }
0x8: {  	[smem:$0x7FF] =	sst s3;
	s11 =	sand.u32 $0x1, s2;
	s4 =	sadd.s32 $0x129E00, s9  }
0x9: {  	s2 =	stileid.u32;
	s5 =	sadd.s32 $0x15AE00, s9;
	s8 =	smul.u32 $0x188000, s11  }
0xa: {  	s6 =	sadd.s32 $0x2400, s9;
	s7 =	sadd.s32 $0x1AC00, s9;
	s10 =	smul.u32 $0x18800, s2  }
0xb: {  	_ =	strace $0x8000004D;
	s12 =	ssub.s32 $0x2, s11;
	s13 =	smul.u32 $0x62000, s2  }
0xc: {  	s31 =	sshll.u32 s2, $0x6;
	p0 =	seq.s32 s11, $0x1;
	s29 =	sshrl.u32 s12, $0x1  }
0xd: {  	s11 =	smul.u32 $0x188, s2;
	s8 =	sadd.s32 s10, s8;
	s12 =	ssub.s32 s12, s29  }
0xe: {  	s30 =	sshrl.u32 s13, $0x2;
	s10 =	sshrl.u32 s8, $0x3;
	s8 =	sadd.s32 $0x18BE00, s9  }
0xf: {  	s12 =	smax.u32 s12, $0x1;
	s14 =	sadd.s32 s10, s9;
	s9 =	sadd.s32 s30, s1  }
0x10: {  	s10 =	sor.u32 $0x1C03, s31;
	s13 =	sadd.s32 $0x373A00, s14;
	s14 =	sshrl.u32 s9, $0x3  }
.LBB2_1:
0x11: {  	[spmem:s14], [sflag:s10] =	dma.local [hbm:s8], $0x3100  }
.Ltmp0:
0x12: {  	_ =	swait.ge [sflag:s15], $0x3100;
	(pc) =	sbr.rel @!p0 .LBB2_2-.Ltmp0, $4  }
0x13: {  	[sflag:s15] =	ssyncset.done $0x0  }
0x14: {  	[sflag:s15] =	ssyncadd.s32 $0xFFFFCF00  }
0x15: {  	[bflag:$0x0] =	sbarrier.arrive $0xFFFF  }
0x16: {  	s26 =	simm.s32 $0x0;
	s28 =	simm.s32 $0x0  }
.LBB2_5:
0x17: {  	s26 =	smul.u32 $0x1C, s28;
	_ =	sdelay $0x1  }
0x18: {  	s26 =	sadd.s32 s11, s26  }
0x19: {  	s26 =	sshll.u32 s26, $0x4  }
0x1a: {  	s30 =	simm.s32 $0x0;
	s29 =	sadd.s32 s6, s26  }
0x1b: {  	[tilespmem:s30], [sflag:$0x3] =	stream.linear.gather [hbm4b:s29+s30], $0xE00, $0x38;
	[tilespmem:$0x1F040] =	vst v63  }
0x1c: {  	_ =	swait.ge [sflag:s15], $0xE00  }
0x1d: {  	[sflag:s15] =	ssyncset.done $0x0  }
0x1e: {  	s26 =	sadd.s32 s7, s26;
	[sflag:s15] =	ssyncadd.s32 $0xFFFFF200  }
0x1f: {  	[tilespmem:s16], [sflag:$0x3] =	stream.linear.gather [hbm4b:s26+s30], $0xE00, $0x38;
	[tilespmem:$0x1F040] =	vst v63  }
0x20: {  	_ =	swait.ge [sflag:s15], $0xE00  }
0x21: {  	[sflag:s15] =	ssyncset.done $0x0  }
0x22: {  	s29 =	simm.s32 $0x0;
	[sflag:s15] =	ssyncadd.s32 $0xFFFFF200  }
0x23: {  	[tilespmem:s18], [sflag:$0x1] =	stream.indirect.gather [hbm4b:s5+s17], $0x20, s29, s17, $0xb8;
	[tilespmem:$0x1F040] =	vst v63  }
0x24: {  	s31 =	simm.s32 $0x80  }
0x25: {  	[tilespmem:s19], [sflag:$0x1] =	stream.indirect.gather [hbm4b:s5+s17], $0x20, s31, s17, $0xb8;
	[tilespmem:$0x1F040] =	vst v63  }
0x26: {  	s29 =	simm.s32 $0x100  }
0x27: {  	[tilespmem:s20], [sflag:$0x1] =	stream.indirect.gather [hbm4b:s5+s17], $0x20, s29, s17, $0xb8;
	[tilespmem:$0x1F040] =	vst v63  }
0x28: {  	s31 =	simm.s32 $0x180  }
0x29: {  	[tilespmem:s21], [sflag:$0x1] =	stream.indirect.gather [hbm4b:s5+s17], $0x20, s31, s17, $0xb8;
	[tilespmem:$0x1F040] =	vst v63  }
0x2a: {  	_ =	swait.ge [sflag:s22], $0x1000  }
0x2b: {  	[sflag:s22] =	ssyncset.done $0x0  }
0x2c: {  	s29 =	simm.s32 $0xE00;
	[sflag:s22] =	ssyncadd.s32 $0xFFFFF000  }
0x2d: {  	[spmem:s1] =	stream.indirect.scatter.add.f32 [tilespmem:s18], [sflag:$0x2], $0x20, s29, s17, $0xb8;
	[tilespmem:$0x1F040] =	vst v63  }
0x2e: {  	_ =	swait.ge [sflag:s22], $0x1000  }
0x2f: {  	[sflag:s22] =	ssyncset.done $0x0  }
0x30: {  	s31 =	simm.s32 $0xE80;
	[sflag:s22] =	ssyncadd.s32 $0xFFFFF000  }
0x31: {  	[spmem:s1] =	stream.indirect.scatter.add.f32 [tilespmem:s19], [sflag:$0x2], $0x20, s31, s17, $0xb8;
	[tilespmem:$0x1F040] =	vst v63  }
0x32: {  	_ =	swait.ge [sflag:s22], $0x1000  }
0x33: {  	[sflag:s22] =	ssyncset.done $0x0  }
0x34: {  	s29 =	simm.s32 $0xF00;
	[sflag:s22] =	ssyncadd.s32 $0xFFFFF000  }
0x35: {  	[spmem:s1] =	stream.indirect.scatter.add.f32 [tilespmem:s20], [sflag:$0x2], $0x20, s29, s17, $0xb8;
	[tilespmem:$0x1F040] =	vst v63  }
0x36: {  	_ =	swait.ge [sflag:s22], $0x1000  }
0x37: {  	[sflag:s22] =	ssyncset.done $0x0  }
0x38: {  	s31 =	simm.s32 $0xF80;
	[sflag:s22] =	ssyncadd.s32 $0xFFFFF000  }
0x39: {  	[spmem:s1] =	stream.indirect.scatter.add.f32 [tilespmem:s21], [sflag:$0x2], $0x20, s31, s17, $0xb8;
	[tilespmem:$0x1F040] =	vst v63  }
0x3a: {  	_ =	swait.ge [sflag:s23], $0x1000  }
0x3b: {  	[sflag:s23] =	ssyncset.done $0x0  }
0x3c: {  	[sflag:s23] =	ssyncadd.s32 $0xFFFFF000  }
0x3d: {  	_ =	swait.ge [sflag:s23], $0x1000  }
0x3e: {  	[sflag:s23] =	ssyncset.done $0x0  }
0x3f: {  	[sflag:s23] =	ssyncadd.s32 $0xFFFFF000  }
0x40: {  	_ =	swait.ge [sflag:s23], $0x1000  }
0x41: {  	[sflag:s23] =	ssyncset.done $0x0  }
0x42: {  	[sflag:s23] =	ssyncadd.s32 $0xFFFFF000  }
0x43: {  	_ =	swait.ge [sflag:s23], $0x1000  }
0x44: {  	s26 =	simm.s32 $0x800;
	s30 =	simm.s32 $0x1000;
	[sflag:s23] =	ssyncset.done $0x0  }
.LBB2_6:
0x45: {  	s31 =	sshra.s32 s26, $0x2  }
0x46: {  	[sflag:s23] =	ssyncadd.s32 $0xFFFFF000;
	s26 =	smov.u32 s30;
	s29 =	sadd.s32 $0x800, s30  }
0x47: {  	[tilespmem:s18], [sflag:$0x1] =	stream.indirect.gather [hbm4b:s5+s17], $0x20, s31, s17, $0xb8;
	[tilespmem:$0x1F040] =	vst v63  }
0x48: {  	p1 =	sne.s32 s30, $0x3000;
	s30 =	sadd.s32 $0x80, s31  }
0x49: {  	[tilespmem:s19], [sflag:$0x1] =	stream.indirect.gather [hbm4b:s5+s17], $0x20, s30, s17, $0xb8;
	[tilespmem:$0x1F040] =	vst v63  }
0x4a: {  	s30 =	sadd.s32 $0x100, s31  }
0x4b: {  	[tilespmem:s20], [sflag:$0x1] =	stream.indirect.gather [hbm4b:s5+s17], $0x20, s30, s17, $0xb8;
	[tilespmem:$0x1F040] =	vst v63  }
0x4c: {  	s30 =	sadd.s32 $0x180, s31  }
0x4d: {  	[tilespmem:s21], [sflag:$0x1] =	stream.indirect.gather [hbm4b:s5+s17], $0x20, s30, s17, $0xb8;
	[tilespmem:$0x1F040] =	vst v63  }
0x4e: {  	_ =	swait.ge [sflag:s22], $0x1000  }
0x4f: {  	[sflag:s22] =	ssyncset.done $0x0  }
0x50: {  	s30 =	sadd.s32 $0xE00, s31;
	[sflag:s22] =	ssyncadd.s32 $0xFFFFF000  }
0x51: {  	[spmem:s1] =	stream.indirect.scatter.add.f32 [tilespmem:s18], [sflag:$0x2], $0x20, s30, s17, $0xb8;
	[tilespmem:$0x1F040] =	vst v63  }
0x52: {  	_ =	swait.ge [sflag:s22], $0x1000  }
0x53: {  	[sflag:s22] =	ssyncset.done $0x0  }
0x54: {  	s30 =	sadd.s32 $0xE80, s31;
	[sflag:s22] =	ssyncadd.s32 $0xFFFFF000  }
0x55: {  	[spmem:s1] =	stream.indirect.scatter.add.f32 [tilespmem:s19], [sflag:$0x2], $0x20, s30, s17, $0xb8;
	[tilespmem:$0x1F040] =	vst v63  }
0x56: {  	_ =	swait.ge [sflag:s22], $0x1000  }
0x57: {  	[sflag:s22] =	ssyncset.done $0x0  }
0x58: {  	s30 =	sadd.s32 $0xF00, s31;
	[sflag:s22] =	ssyncadd.s32 $0xFFFFF000  }
0x59: {  	[spmem:s1] =	stream.indirect.scatter.add.f32 [tilespmem:s20], [sflag:$0x2], $0x20, s30, s17, $0xb8;
	[tilespmem:$0x1F040] =	vst v63  }
0x5a: {  	_ =	swait.ge [sflag:s22], $0x1000  }
0x5b: {  	[sflag:s22] =	ssyncset.done $0x0  }
0x5c: {  	s30 =	sadd.s32 $0xF80, s31;
	[sflag:s22] =	ssyncadd.s32 $0xFFFFF000  }
0x5d: {  	[spmem:s1] =	stream.indirect.scatter.add.f32 [tilespmem:s21], [sflag:$0x2], $0x20, s30, s17, $0xb8;
	[tilespmem:$0x1F040] =	vst v63  }
0x5e: {  	_ =	swait.ge [sflag:s23], $0x1000  }
0x5f: {  	[sflag:s23] =	ssyncset.done $0x0  }
0x60: {  	[sflag:s23] =	ssyncadd.s32 $0xFFFFF000  }
0x61: {  	_ =	swait.ge [sflag:s23], $0x1000  }
0x62: {  	[sflag:s23] =	ssyncset.done $0x0  }
0x63: {  	[sflag:s23] =	ssyncadd.s32 $0xFFFFF000  }
.Ltmp1:
0x64: {  	_ =	swait.ge [sflag:s23], $0x1000;
	(pc) =	sbr.rel @p1 .LBB2_6-.Ltmp1, $4  }
0x65: {  	[sflag:s23] =	ssyncset.done $0x0  }
0x66: {  	[sflag:s23] =	ssyncadd.s32 $0xFFFFF000  }
0x67: {  	_ =	swait.ge [sflag:s23], $0x1000  }
0x68: {  	s30 =	smov.u32 s29;
	[sflag:s23] =	ssyncset.done $0x0  }
0x69: {  	s26 =	sshra.s32 s26, $0x2;
	[sflag:s23] =	ssyncadd.s32 $0xFFFFF000  }
0x6a: {  	[tilespmem:s18], [sflag:$0x1] =	stream.indirect.gather [hbm4b:s5+s17], $0x20, s26, s17, $0xb8;
	[tilespmem:$0x1F040] =	vst v63  }
0x6b: {  	s29 =	sadd.s32 $0x80, s26  }
0x6c: {  	[tilespmem:s19], [sflag:$0x1] =	stream.indirect.gather [hbm4b:s5+s17], $0x20, s29, s17, $0xb8;
	[tilespmem:$0x1F040] =	vst v63  }
0x6d: {  	s31 =	sadd.s32 $0x100, s26  }
0x6e: {  	[tilespmem:s20], [sflag:$0x1] =	stream.indirect.gather [hbm4b:s5+s17], $0x20, s31, s17, $0xb8;
	[tilespmem:$0x1F040] =	vst v63  }
0x6f: {  	s30 =	sadd.s32 $0x180, s26  }
0x70: {  	[tilespmem:s21], [sflag:$0x1] =	stream.indirect.gather [hbm4b:s5+s17], $0x20, s30, s17, $0xb8;
	[tilespmem:$0x1F040] =	vst v63  }
0x71: {  	_ =	swait.ge [sflag:s22], $0x1000  }
0x72: {  	[sflag:s22] =	ssyncset.done $0x0  }
0x73: {  	s31 =	sadd.s32 $0xE00, s26;
	[sflag:s22] =	ssyncadd.s32 $0xFFFFF000  }
0x74: {  	[spmem:s1] =	stream.indirect.scatter.add.f32 [tilespmem:s18], [sflag:$0x2], $0x20, s31, s17, $0xb8;
	[tilespmem:$0x1F040] =	vst v63  }
0x75: {  	_ =	swait.ge [sflag:s22], $0x1000  }
0x76: {  	[sflag:s22] =	ssyncset.done $0x0  }
0x77: {  	s30 =	sadd.s32 $0xE80, s26;
	[sflag:s22] =	ssyncadd.s32 $0xFFFFF000  }
0x78: {  	[spmem:s1] =	stream.indirect.scatter.add.f32 [tilespmem:s19], [sflag:$0x2], $0x20, s30, s17, $0xb8;
	[tilespmem:$0x1F040] =	vst v63  }
0x79: {  	_ =	swait.ge [sflag:s22], $0x1000  }
0x7a: {  	[sflag:s22] =	ssyncset.done $0x0  }
0x7b: {  	s31 =	sadd.s32 $0xF00, s26;
	[sflag:s22] =	ssyncadd.s32 $0xFFFFF000  }
0x7c: {  	[spmem:s1] =	stream.indirect.scatter.add.f32 [tilespmem:s20], [sflag:$0x2], $0x20, s31, s17, $0xb8;
	[tilespmem:$0x1F040] =	vst v63  }
0x7d: {  	_ =	swait.ge [sflag:s22], $0x1000  }
0x7e: {  	[sflag:s22] =	ssyncset.done $0x0  }
0x7f: {  	s26 =	sadd.s32 $0xF80, s26;
	[sflag:s22] =	ssyncadd.s32 $0xFFFFF000  }
0x80: {  	[spmem:s1] =	stream.indirect.scatter.add.f32 [tilespmem:s21], [sflag:$0x2], $0x20, s26, s17, $0xb8;
	[tilespmem:$0x1F040] =	vst v63  }
0x81: {  	_ =	swait.ge [sflag:s23], $0x1000  }
0x82: {  	[sflag:s23] =	ssyncset.done $0x0  }
0x83: {  	[sflag:s23] =	ssyncadd.s32 $0xFFFFF000  }
0x84: {  	_ =	swait.ge [sflag:s23], $0x1000  }
0x85: {  	[sflag:s23] =	ssyncset.done $0x0  }
0x86: {  	s28 =	sadd.s32 $0x1, s28;
	[sflag:s23] =	ssyncadd.s32 $0xFFFFF000  }
0x87: {  	p1 =	sne.s32 s28, $0xE;
	_ =	swait.ge [sflag:s23], $0x1000  }
.Ltmp2:
0x88: {  	[sflag:s23] =	ssyncset.done $0x0;
	(pc) =	sbr.rel @p1 .LBB2_5-.Ltmp2, $4  }
.Ltmp3:
0x89: {  	[sflag:s23] =	ssyncadd.s32 $0xFFFFF000;
	(pc) =	sbr.rel @!p1 .LBB2_8-.Ltmp3, $4  }
0x8a: {  	_ =	swait.ge [sflag:s23], $0x1000  }
0x8b: {  	[sflag:s23] =	ssyncset.done $0x0  }
0x8c: {  	[sflag:s23] =	ssyncadd.s32 $0xFFFFF000  }
0x8d: {  	_ = 	snop  }
.LBB2_2:
0x8e: {  	s28 =	smul.u32 $0x1C, s26;
	_ =	sdelay $0x1  }
0x8f: {  	s28 =	sadd.s32 s11, s28  }
0x90: {  	s28 =	sshll.u32 s28, $0x4  }
0x91: {  	s30 =	simm.s32 $0x0;
	s29 =	sadd.s32 s6, s28  }
0x92: {  	[tilespmem:s30], [sflag:$0x3] =	stream.linear.gather [hbm4b:s29+s30], $0xE00, $0x38;
	[tilespmem:$0x1F040] =	vst v63  }
0x93: {  	_ =	swait.ge [sflag:s15], $0xE00  }
0x94: {  	[sflag:s15] =	ssyncset.done $0x0  }
0x95: {  	s28 =	sadd.s32 s7, s28;
	[sflag:s15] =	ssyncadd.s32 $0xFFFFF200  }
0x96: {  	[tilespmem:s16], [sflag:$0x3] =	stream.linear.gather [hbm4b:s28+s30], $0xE00, $0x38;
	[tilespmem:$0x1F040] =	vst v63  }
0x97: {  	_ =	swait.ge [sflag:s15], $0xE00  }
0x98: {  	[sflag:s15] =	ssyncset.done $0x0  }
0x99: {  	s28 =	simm.s32 $0x0;
	[sflag:s15] =	ssyncadd.s32 $0xFFFFF200  }
0x9a: {  	[tilespmem:s18], [sflag:$0x1] =	stream.indirect.gather [hbm4b:s4+s17], $0x20, s28, s17, $0xb8;
	[tilespmem:$0x1F040] =	vst v63  }
0x9b: {  	s28 =	simm.s32 $0x80  }
0x9c: {  	[tilespmem:s19], [sflag:$0x1] =	stream.indirect.gather [hbm4b:s4+s17], $0x20, s28, s17, $0xb8;
	[tilespmem:$0x1F040] =	vst v63  }
0x9d: {  	s28 =	simm.s32 $0x100  }
0x9e: {  	[tilespmem:s20], [sflag:$0x1] =	stream.indirect.gather [hbm4b:s4+s17], $0x20, s28, s17, $0xb8;
	[tilespmem:$0x1F040] =	vst v63  }
0x9f: {  	s28 =	simm.s32 $0x180  }
0xa0: {  	[tilespmem:s21], [sflag:$0x1] =	stream.indirect.gather [hbm4b:s4+s17], $0x20, s28, s17, $0xb8;
	[tilespmem:$0x1F040] =	vst v63  }
0xa1: {  	_ =	swait.ge [sflag:s22], $0x1000  }
0xa2: {  	[sflag:s22] =	ssyncset.done $0x0  }
0xa3: {  	s28 =	simm.s32 $0xE00;
	[sflag:s22] =	ssyncadd.s32 $0xFFFFF000  }
0xa4: {  	[spmem:s1] =	stream.indirect.scatter.add.f32 [tilespmem:s18], [sflag:$0x2], $0x20, s28, s17, $0xb8;
	[tilespmem:$0x1F040] =	vst v63  }
0xa5: {  	_ =	swait.ge [sflag:s22], $0x1000  }
0xa6: {  	[sflag:s22] =	ssyncset.done $0x0  }
0xa7: {  	s28 =	simm.s32 $0xE80;
	[sflag:s22] =	ssyncadd.s32 $0xFFFFF000  }
0xa8: {  	[spmem:s1] =	stream.indirect.scatter.add.f32 [tilespmem:s19], [sflag:$0x2], $0x20, s28, s17, $0xb8;
	[tilespmem:$0x1F040] =	vst v63  }
0xa9: {  	_ =	swait.ge [sflag:s22], $0x1000  }
0xaa: {  	[sflag:s22] =	ssyncset.done $0x0  }
0xab: {  	s28 =	simm.s32 $0xF00;
	[sflag:s22] =	ssyncadd.s32 $0xFFFFF000  }
0xac: {  	[spmem:s1] =	stream.indirect.scatter.add.f32 [tilespmem:s20], [sflag:$0x2], $0x20, s28, s17, $0xb8;
	[tilespmem:$0x1F040] =	vst v63  }
0xad: {  	_ =	swait.ge [sflag:s22], $0x1000  }
0xae: {  	[sflag:s22] =	ssyncset.done $0x0  }
0xaf: {  	s28 =	simm.s32 $0xF80;
	[sflag:s22] =	ssyncadd.s32 $0xFFFFF000  }
0xb0: {  	[spmem:s1] =	stream.indirect.scatter.add.f32 [tilespmem:s21], [sflag:$0x2], $0x20, s28, s17, $0xb8;
	[tilespmem:$0x1F040] =	vst v63  }
0xb1: {  	_ =	swait.ge [sflag:s23], $0x1000  }
0xb2: {  	[sflag:s23] =	ssyncset.done $0x0  }
0xb3: {  	[sflag:s23] =	ssyncadd.s32 $0xFFFFF000  }
0xb4: {  	_ =	swait.ge [sflag:s23], $0x1000  }
0xb5: {  	[sflag:s23] =	ssyncset.done $0x0  }
0xb6: {  	[sflag:s23] =	ssyncadd.s32 $0xFFFFF000  }
0xb7: {  	_ =	swait.ge [sflag:s23], $0x1000  }
0xb8: {  	[sflag:s23] =	ssyncset.done $0x0  }
0xb9: {  	[sflag:s23] =	ssyncadd.s32 $0xFFFFF000  }
0xba: {  	_ =	swait.ge [sflag:s23], $0x1000  }
0xbb: {  	s30 =	simm.s32 $0x1000;
	s28 =	simm.s32 $0x800;
	[sflag:s23] =	ssyncset.done $0x0  }
.LBB2_3:
0xbc: {  	s31 =	sshra.s32 s28, $0x2  }
0xbd: {  	[sflag:s23] =	ssyncadd.s32 $0xFFFFF000;
	s28 =	smov.u32 s30;
	s29 =	sadd.s32 $0x800, s30  }
0xbe: {  	[tilespmem:s18], [sflag:$0x1] =	stream.indirect.gather [hbm4b:s4+s17], $0x20, s31, s17, $0xb8;
	[tilespmem:$0x1F040] =	vst v63  }
0xbf: {  	p1 =	sne.s32 s30, $0x3000;
	s30 =	sadd.s32 $0x80, s31  }
0xc0: {  	[tilespmem:s19], [sflag:$0x1] =	stream.indirect.gather [hbm4b:s4+s17], $0x20, s30, s17, $0xb8;
	[tilespmem:$0x1F040] =	vst v63  }
0xc1: {  	s30 =	sadd.s32 $0x100, s31  }
0xc2: {  	[tilespmem:s20], [sflag:$0x1] =	stream.indirect.gather [hbm4b:s4+s17], $0x20, s30, s17, $0xb8;
	[tilespmem:$0x1F040] =	vst v63  }
0xc3: {  	s30 =	sadd.s32 $0x180, s31  }
0xc4: {  	[tilespmem:s21], [sflag:$0x1] =	stream.indirect.gather [hbm4b:s4+s17], $0x20, s30, s17, $0xb8;
	[tilespmem:$0x1F040] =	vst v63  }
0xc5: {  	_ =	swait.ge [sflag:s22], $0x1000  }
0xc6: {  	[sflag:s22] =	ssyncset.done $0x0  }
0xc7: {  	s30 =	sadd.s32 $0xE00, s31;
	[sflag:s22] =	ssyncadd.s32 $0xFFFFF000  }
0xc8: {  	[spmem:s1] =	stream.indirect.scatter.add.f32 [tilespmem:s18], [sflag:$0x2], $0x20, s30, s17, $0xb8;
	[tilespmem:$0x1F040] =	vst v63  }
0xc9: {  	_ =	swait.ge [sflag:s22], $0x1000  }
0xca: {  	[sflag:s22] =	ssyncset.done $0x0  }
0xcb: {  	s30 =	sadd.s32 $0xE80, s31;
	[sflag:s22] =	ssyncadd.s32 $0xFFFFF000  }
0xcc: {  	[spmem:s1] =	stream.indirect.scatter.add.f32 [tilespmem:s19], [sflag:$0x2], $0x20, s30, s17, $0xb8;
	[tilespmem:$0x1F040] =	vst v63  }
0xcd: {  	_ =	swait.ge [sflag:s22], $0x1000  }
0xce: {  	[sflag:s22] =	ssyncset.done $0x0  }
0xcf: {  	s30 =	sadd.s32 $0xF00, s31;
	[sflag:s22] =	ssyncadd.s32 $0xFFFFF000  }
0xd0: {  	[spmem:s1] =	stream.indirect.scatter.add.f32 [tilespmem:s20], [sflag:$0x2], $0x20, s30, s17, $0xb8;
	[tilespmem:$0x1F040] =	vst v63  }
0xd1: {  	_ =	swait.ge [sflag:s22], $0x1000  }
0xd2: {  	[sflag:s22] =	ssyncset.done $0x0  }
0xd3: {  	s30 =	sadd.s32 $0xF80, s31;
	[sflag:s22] =	ssyncadd.s32 $0xFFFFF000  }
0xd4: {  	[spmem:s1] =	stream.indirect.scatter.add.f32 [tilespmem:s21], [sflag:$0x2], $0x20, s30, s17, $0xb8;
	[tilespmem:$0x1F040] =	vst v63  }
0xd5: {  	_ =	swait.ge [sflag:s23], $0x1000  }
0xd6: {  	[sflag:s23] =	ssyncset.done $0x0  }
0xd7: {  	[sflag:s23] =	ssyncadd.s32 $0xFFFFF000  }
0xd8: {  	_ =	swait.ge [sflag:s23], $0x1000  }
0xd9: {  	[sflag:s23] =	ssyncset.done $0x0  }
0xda: {  	[sflag:s23] =	ssyncadd.s32 $0xFFFFF000  }
.Ltmp4:
0xdb: {  	_ =	swait.ge [sflag:s23], $0x1000;
	(pc) =	sbr.rel @p1 .LBB2_3-.Ltmp4, $4  }
0xdc: {  	[sflag:s23] =	ssyncset.done $0x0  }
0xdd: {  	[sflag:s23] =	ssyncadd.s32 $0xFFFFF000  }
0xde: {  	_ =	swait.ge [sflag:s23], $0x1000  }
0xdf: {  	s30 =	smov.u32 s29;
	[sflag:s23] =	ssyncset.done $0x0  }
0xe0: {  	s28 =	sshra.s32 s28, $0x2;
	[sflag:s23] =	ssyncadd.s32 $0xFFFFF000  }
0xe1: {  	[tilespmem:s18], [sflag:$0x1] =	stream.indirect.gather [hbm4b:s4+s17], $0x20, s28, s17, $0xb8;
	[tilespmem:$0x1F040] =	vst v63  }
0xe2: {  	s29 =	sadd.s32 $0x80, s28  }
0xe3: {  	[tilespmem:s19], [sflag:$0x1] =	stream.indirect.gather [hbm4b:s4+s17], $0x20, s29, s17, $0xb8;
	[tilespmem:$0x1F040] =	vst v63  }
0xe4: {  	s31 =	sadd.s32 $0x100, s28  }
0xe5: {  	[tilespmem:s20], [sflag:$0x1] =	stream.indirect.gather [hbm4b:s4+s17], $0x20, s31, s17, $0xb8;
	[tilespmem:$0x1F040] =	vst v63  }
0xe6: {  	s30 =	sadd.s32 $0x180, s28  }
0xe7: {  	[tilespmem:s21], [sflag:$0x1] =	stream.indirect.gather [hbm4b:s4+s17], $0x20, s30, s17, $0xb8;
	[tilespmem:$0x1F040] =	vst v63  }
0xe8: {  	_ =	swait.ge [sflag:s22], $0x1000  }
0xe9: {  	[sflag:s22] =	ssyncset.done $0x0  }
0xea: {  	s31 =	sadd.s32 $0xE00, s28;
	[sflag:s22] =	ssyncadd.s32 $0xFFFFF000  }
0xeb: {  	[spmem:s1] =	stream.indirect.scatter.add.f32 [tilespmem:s18], [sflag:$0x2], $0x20, s31, s17, $0xb8;
	[tilespmem:$0x1F040] =	vst v63  }
0xec: {  	_ =	swait.ge [sflag:s22], $0x1000  }
0xed: {  	[sflag:s22] =	ssyncset.done $0x0  }
0xee: {  	s30 =	sadd.s32 $0xE80, s28;
	[sflag:s22] =	ssyncadd.s32 $0xFFFFF000  }
0xef: {  	[spmem:s1] =	stream.indirect.scatter.add.f32 [tilespmem:s19], [sflag:$0x2], $0x20, s30, s17, $0xb8;
	[tilespmem:$0x1F040] =	vst v63  }
0xf0: {  	_ =	swait.ge [sflag:s22], $0x1000  }
0xf1: {  	[sflag:s22] =	ssyncset.done $0x0  }
0xf2: {  	s31 =	sadd.s32 $0xF00, s28;
	[sflag:s22] =	ssyncadd.s32 $0xFFFFF000  }
0xf3: {  	[spmem:s1] =	stream.indirect.scatter.add.f32 [tilespmem:s20], [sflag:$0x2], $0x20, s31, s17, $0xb8;
	[tilespmem:$0x1F040] =	vst v63  }
0xf4: {  	_ =	swait.ge [sflag:s22], $0x1000  }
0xf5: {  	[sflag:s22] =	ssyncset.done $0x0  }
0xf6: {  	s28 =	sadd.s32 $0xF80, s28;
	[sflag:s22] =	ssyncadd.s32 $0xFFFFF000  }
0xf7: {  	[spmem:s1] =	stream.indirect.scatter.add.f32 [tilespmem:s21], [sflag:$0x2], $0x20, s28, s17, $0xb8;
	[tilespmem:$0x1F040] =	vst v63  }
0xf8: {  	_ =	swait.ge [sflag:s23], $0x1000  }
0xf9: {  	[sflag:s23] =	ssyncset.done $0x0  }
0xfa: {  	[sflag:s23] =	ssyncadd.s32 $0xFFFFF000  }
0xfb: {  	_ =	swait.ge [sflag:s23], $0x1000  }
0xfc: {  	[sflag:s23] =	ssyncset.done $0x0  }
0xfd: {  	s26 =	sadd.s32 $0x1, s26;
	[sflag:s23] =	ssyncadd.s32 $0xFFFFF000  }
0xfe: {  	p1 =	seq.s32 s26, $0xE;
	_ =	swait.ge [sflag:s23], $0x1000  }
.Ltmp5:
0xff: {  	[sflag:s23] =	ssyncset.done $0x0;
	(pc) =	sbr.rel @!p1 .LBB2_2-.Ltmp5, $4  }
0x100: {  	[sflag:s23] =	ssyncadd.s32 $0xFFFFF000  }
0x101: {  	_ =	swait.ge [sflag:s23], $0x1000  }
0x102: {  	[sflag:s23] =	ssyncset.done $0x0  }
0x103: {  	[sflag:s23] =	ssyncadd.s32 $0xFFFFF000  }
.LBB2_8:
0x104: {  	[bflag:$0x0] =	sbarrier.arrive $0xFFFF  }
0x105: {  	[tilespmem:s24], [sflag:$0x3] =	stream.linear.gather [spmem:s9], $0xC40, $0x38;
	[tilespmem:$0x1F040] =	vst v63  }
0x106: {  	_ =	swait.ge [sflag:s15], $0xC40  }
0x107: {  	[sflag:s15] =	ssyncset.done $0x0  }
0x108: {  	s26 =	sadd.s32 $0x0, s13;
	[sflag:s15] =	ssyncadd.s32 $0xFFFFF3C0  }
0x109: {  	[hbm4b:s26+s3] =	stream.linear.scatter [tilespmem:s24], [sflag:$0x3], $0xC40, $0x38;
	[tilespmem:$0x1F040] =	vst v63  }
0x10a: {  	_ =	swait.ge [sflag:s15], $0xC40  }
0x10b: {  	s28 =	smov.u32 s9;
	s26 =	simm.s32 $0x188;
	[sflag:s15] =	ssyncset.done $0x0  }
.LBB2_9:
0x10c: {  	p1 =	sne.s32 s26, $0x2F78;
	[sflag:s15] =	ssyncadd.s32 $0xFFFFF3C0;
	s28 =	sadd.s32 $0xC40, s28  }
0x10d: {  	[tilespmem:s24], [sflag:$0x3] =	stream.linear.gather [spmem:s28], $0xC40, $0x38;
	[tilespmem:$0x1F040] =	vst v63  }
0x10e: {  	s29 =	smov.u32 s26;
	s26 =	sadd.s32 $0x188, s26;
	_ =	swait.ge [sflag:s15], $0xC40  }
.Ltmp6:
0x10f: {  	[sflag:s15] =	ssyncset.done $0x0;
	(pc) =	sbr.rel @p1 .LBB2_9-.Ltmp6, $4  }
0x110: {  	s29 =	sadd.s32 s29, s13;
	[sflag:s15] =	ssyncadd.s32 $0xFFFFF3C0  }
0x111: {  	[hbm4b:s29+s3] =	stream.linear.scatter [tilespmem:s24], [sflag:$0x3], $0xC40, $0x38;
	[tilespmem:$0x1F040] =	vst v63  }
0x112: {  	_ =	swait.ge [sflag:s15], $0xC40  }
0x113: {  	[sflag:s15] =	ssyncset.done $0x0  }
0x114: {  	s25 =	sadd.s32 $0x1, s25  }
0x115: {  	p1 =	sne.s32 s25, s12  }
.Ltmp7:
0x116: {  	_ = 	snop;
	(pc) =	sbr.rel @p1 .LBB2_1-.Ltmp7, $2  }
0x117: {  	_ =	sdelay $0x2  }
0x118: {  	[sflag:s15] =	ssyncadd.s32 $0xFFFFF3C0  }
0x119: {  	_ =	sfence.sel $0x180000  }
0x11a: {  	[bflag:$0x0] =	sbarrier.arrive $0xFFFF  }
0x11b: {  	p0 =	sne.s32 s2, $0x0;
	_ =	strace $0x9000004D  }
0x11c: {  	s0 =	sadd.s32 @!p0 $0x100000, s0;
	[bflag:$0x2] =	sbarrier.arrive $0xFFFF  }
0x11d: {  	[sflag:s0] =	ssyncadd.tile.s32 @!p0 $0x1;
	_ =	shalt  }
.Lfunc_end2:
_tile_overlayer_lowered:
.L_overlay_start_2:
0x11e: {  	(tag) =	ssettag $0x2  }
0x11f: {  	s0 =	rddreg [dreg:$0x0];
	s2 =	stileid.u32  }
0x120: {  	s1 =	rddreg [dreg:$0x1];
	p0 =	sne.s32 s2, $0x0  }
0x121: {  	s3 =	rddreg [dreg:$0x2];
	[bflag:$0x3] =	sbarrier.arrive $0xFFFF;
	s2 =	simm.s32 @!p0 $0x1C03  }
0x122: {  	[timem:s3], [sflag:s2] =	dma.local @!p0 [hbm:s0], s1  }
0x123: {  	s0 =	simm.s32 @!p0 $0x3  }
0x124: {  	_ =	swait.ge @!p0 [sflag:s0], s1  }
0x125: {  	s1 =	ssub.s32 @!p0 $0x0, s1;
	[sflag:s0] =	ssyncset.done @!p0 $0x0  }
0x126: {  	[sflag:s0] =	ssyncadd.s32 @!p0 s1  }
0x127: {  	[bflag:$0x3] =	sbarrier.arrive $0xFFFF  }
0x128: {  	_ =	shalt  }

// kernel: kernel.14.cloned.1.call-start
scs
__scs_entry_jumppad:
0x0: {  	(pc) =	sbr.rel $0x88, $3  }
0x1: {  	(tag) =	ssettag $0x0;
	lr =	simm.s32 $0x1  }
0x2: {  	[smem:$0x3F9B] =	sst lr;
	_ =	strace $0xD0000000  }
0x3: {  	_ = 	snop  }
0x4: {  	_ = 	snop  }
0x5: {  	_ = 	snop  }
0x6: {  	_ = 	snop  }
0x7: {  	_ = 	snop  }
__scs_overlays_trampoline_lowered:
0x8: {  	[smem:$0x3FAA] =	sst s0  }
0x9: {  	[smem:$0x3FAB] =	sst s1  }
0xa: {  	[smem:$0x3FAC] =	sst s2  }
0xb: {  	[smem:$0x3FAD] =	sst s3  }
0xc: {  	[smem:$0x3FAE] =	sst s4  }
0xd: {  	[smem:$0x3FAF] =	sst s5  }
0xe: {  	[smem:$0x3FB0] =	sst s6  }
0xf: {  	[smem:$0x3FB1] =	sst s7  }
0x10: {  	[smem:$0x3FB2] =	sst s8  }
0x11: {  	[smem:$0x3FB3] =	sst s9;
	s0 =	simm.s32 @!p0 $0x0  }
0x12: {  	s1 =	sld [smem:$0x3F99];
	s0 =	simm.s32 @p0 $0x1  }
0x13: {  	[smem:$0x3FB4] =	sst s0;
	s0 =	simm.s32 @!p1 $0x0  }
0x14: {  	s2 =	sld [smem:$0x3F98];
	s0 =	simm.s32 @p1 $0x1  }
0x15: {  	[smem:$0x3FB5] =	sst s0;
	s0 =	simm.s32 @!p2 $0x0  }
0x16: {  	s3 =	sld [smem:$0x3FDB];
	s0 =	simm.s32 @p2 $0x1  }
0x17: {  	s4 =	simm.s32 $0x1BF5;
	[smem:$0x3FB7] =	sst s0  }
0x18: {  	s0 =	sld [smem:$0x3F9A];
	_ =	swait.ge [sflag:s4], $0x0  }
0x19: {  	s7 =	sld [smem:$0x3F9B]  }
0x1a: {  	s8 =	sadd.s32 $0xFFFFE003, lr  }
0x1b: {  	s9 =	sadd.s32 $0xFFFFFEF7, lr;
	s5 =	simm.s32 $0xFFFFFFFF;
	p2 =	slt.u32 s8, $0xFFFFF086  }
0x1c: {  	p1 =	slt.u32 s9, $0xF7A;
	s5 =	simm.s32 @!p2 $0x0  }
0x1d: {  	s5 =	simm.s32 @p1 $0x1;
	p0 =	seq.s32 s7, s2  }
0x1e: {  	s7 =	smul.u32 @!p0 $0xF7A, s2;
	p2 =	seq.s32 @!p0 s5, $0x0  }
0x1f: {  	s9 =	smul.u32 $0xF7A, s1;
	s8 =	simm.s32 @!p0 $0x1BF5;
	p2 =	por !p2, p0  }
0x20: {  	[sflag:s8] =	ssyncset.s32 @!p0 $0xFFFFF086;
	s6 =	sadd.s32 @!p0 s3, s7;
	s7 =	simm.s32 @!p0 $0x108  }
0x21: {  	s3 =	sadd.s32 s3, s9;
	s6 =	sadd.s32 @!p0 $0x88, s6;
	s7 =	simm.s32 @p2 $0x1082  }
0x22: {  	[simem:s7], [sflag:s8] =	dma.local @!p0 [hbm:s6], $0xF7A  }
0x23: {  	s9 =	sor.u32 $0xD0000000, s2;
	s6 =	simm.s32 $0x108;
	_ =	swait.ge @!p0 [sflag:s8], $0x0  }
0x24: {  	s3 =	sadd.s32 $0x88, s3;
	s6 =	simm.s32 @!p1 $0x1082;
	[sflag:s4] =	ssyncset.s32 $0xFFFFF086  }
0x25: {  	[simem:s6], [sflag:s4] =	dma.local [hbm:s3], $0xF7A  }
0x26: {  	[smem:$0x3F9B] =	sst s1;
	(tag) =	ssettag s2;
	_ =	strace s9  }
0x27: {  	s1 =	sld [smem:$0x3FAB]  }
0x28: {  	s2 =	sld [smem:$0x3FAC]  }
0x29: {  	s4 =	sld [smem:$0x3FAE]  }
0x2a: {  	p0 =	seq.s32 s5, $0x0;
	s5 =	sld [smem:$0x3FAF]  }
0x2b: {  	s6 =	sld [smem:$0x3FB0]  }
0x2c: {  	s7 =	sld [smem:$0x3FB1]  }
0x2d: {  	s3 =	simm.s32 $0x108;
	s8 =	sld [smem:$0x3FB2]  }
0x2e: {  	s3 =	simm.s32 @!p0 $0x1082;
	s9 =	sld [smem:$0x3FB3]  }
0x2f: {  	lr =	sadd.s32 s0, s3;
	s0 =	sld [smem:$0x3FAA]  }
0x30: {  	s3 =	sld [smem:$0x3FAD]  }
0x31: {  	[smem:$0x3FB6] =	sst s10  }
0x32: {  	s10 =	sld [smem:$0x3FB4];
	_ =	sdelay $0x3  }
0x33: {  	p0 =	seq.s32 s10, $0x1;
	s10 =	sld [smem:$0x3FB6];
	_ =	sdelay $0x3  }
0x34: {  	[smem:$0x3FB6] =	sst s10  }
0x35: {  	s10 =	sld [smem:$0x3FB5];
	_ =	sdelay $0x3  }
0x36: {  	p1 =	seq.s32 s10, $0x1;
	s10 =	sld [smem:$0x3FB6];
	_ =	sdelay $0x3  }
0x37: {  	[smem:$0x3FB6] =	sst s10  }
0x38: {  	s10 =	sld [smem:$0x3FB7]  }
0x39: {  	_ = 	snop;
	(pc) =	sbr.ind lr, $3  }
0x3a: {  	_ = 	snop  }
0x3b: {  	_ = 	snop  }
0x3c: {  	p2 =	seq.s32 s10, $0x1;
	s10 =	sld [smem:$0x3FB6]  }
0x3d: {  	_ =	shalt  }
0x3e: {  	_ =	shalt  }
0x3f: {  	_ =	shalt  }
0x40: {  	_ =	shalt  }
0x41: {  	_ =	shalt  }
0x42: {  	_ =	shalt  }
0x43: {  	_ =	shalt  }
0x44: {  	_ =	shalt  }
0x45: {  	_ =	shalt  }
0x46: {  	_ =	shalt  }
0x47: {  	_ =	shalt  }
0x48: {  	_ =	shalt  }
0x49: {  	_ =	shalt  }
0x4a: {  	_ =	shalt  }
0x4b: {  	_ =	shalt  }
0x4c: {  	_ =	shalt  }
0x4d: {  	_ =	shalt  }
0x4e: {  	_ =	shalt  }
0x4f: {  	_ =	shalt  }
0x50: {  	_ =	shalt  }
0x51: {  	_ =	shalt  }
0x52: {  	_ =	shalt  }
0x53: {  	_ =	shalt  }
0x54: {  	_ =	shalt  }
0x55: {  	_ =	shalt  }
0x56: {  	_ =	shalt  }
0x57: {  	_ =	shalt  }
0x58: {  	_ =	shalt  }
0x59: {  	_ =	shalt  }
0x5a: {  	_ =	shalt  }
0x5b: {  	_ =	shalt  }
0x5c: {  	_ =	shalt  }
0x5d: {  	_ =	shalt  }
0x5e: {  	_ =	shalt  }
0x5f: {  	_ =	shalt  }
0x60: {  	_ =	shalt  }
0x61: {  	_ =	shalt  }
0x62: {  	_ =	shalt  }
0x63: {  	_ =	shalt  }
0x64: {  	_ =	shalt  }
0x65: {  	_ =	shalt  }
0x66: {  	_ =	shalt  }
0x67: {  	_ =	shalt  }
0x68: {  	_ =	shalt  }
0x69: {  	_ =	shalt  }
0x6a: {  	_ =	shalt  }
0x6b: {  	_ =	shalt  }
0x6c: {  	_ =	shalt  }
0x6d: {  	_ =	shalt  }
0x6e: {  	_ =	shalt  }
0x6f: {  	_ =	shalt  }
0x70: {  	_ =	shalt  }
0x71: {  	_ =	shalt  }
0x72: {  	_ =	shalt  }
0x73: {  	_ =	shalt  }
0x74: {  	_ =	shalt  }
0x75: {  	_ =	shalt  }
0x76: {  	_ =	shalt  }
0x77: {  	_ =	shalt  }
0x78: {  	_ =	shalt  }
0x79: {  	_ =	shalt  }
0x7a: {  	_ =	shalt  }
0x7b: {  	_ =	shalt  }
0x7c: {  	_ =	shalt  }
0x7d: {  	_ =	shalt  }
0x7e: {  	_ =	shalt  }
0x7f: {  	_ =	shalt  }
0x80: {  	_ =	shalt  }
0x81: {  	_ =	shalt  }
0x82: {  	_ =	shalt  }
0x83: {  	_ =	shalt  }
0x84: {  	_ =	shalt  }
0x85: {  	_ =	shalt  }
0x86: {  	_ =	shalt  }
0x87: {  	_ =	shalt  }
.Lfunc_end0:
.L_simem_size_0:
called_computation.2_lowered:
.L_overlay_start_0:
0x88: {  	s2 =	sld [smem:$0x3FD9]  }
0x89: {  	s3 =	sld [smem:$0x3FFE];
	_ =	sdelay $0x1  }
0x8a: {  	s1 =	srdreg.scid  }
0x8b: {  	s0 =	sand.u32 $0x1, s1  }
0x8c: {  	s16 =	sshll.u32 s0, $0xA;
	s2 =	sadd.s32 s3, s2  }
0x8d: {  	s2 =	sadd.s32 s2, s16  }
0x8e: {  	[smem:$0x3FC2] =	sst s2  }
0x8f: {  	_ = 	snop  }
0x90: {  	(tm) =	ssettm $0x1  }
0x91: {  	s17 =	sld [smem:$0x3FFB];
	_ =	sdelay $0x3  }
0x92: {  	_ =	strace s17  }
0x93: {  	s2 =	sld [smem:$0x3FFC];
	_ =	sdelay $0x3  }
0x94: {  	_ =	strace s2  }
0x95: {  	s2 =	sld [smem:$0x3FFD];
	_ =	sdelay $0x3  }
0x96: {  	_ =	strace s2  }
0x97: {  	_ =	strace $0x8FFFFFFF  }
0x98: {  	s18 =	sld [smem:$0x3FDB];
	_ =	sdelay $0x1  }
0x99: {  	s19 =	simm.s32 $_scs_section_size  }
0x9a: {  	s4 =	simm.s32 $_size__tile_overlayer_lowered;
	s5 =	simm.s32 $_tile_overlayer_lowered  }
0x9b: {  	s22 =	simm.s32 $0x1BFF;
	s21 =	sshll.u32 s5, $0x1;
	s2 =	sadd.s32 s19, s18  }
0x9c: {  	s6 =	simm.s32 $0x0;
	s20 =	sshll.u32 s4, $0x1;
	s4 =	sadd.s32 s21, s2  }
0x9d: {  	[timem:s6], [sflag:s22] =	dma.local [hbm:s4], s20  }
0x9e: {  	_ =	swait.ge [sflag:s22], s20  }
0x9f: {  	s3 =	ssub.s32 $0x0, s20;
	[sflag:s22] =	ssyncset.done $0x0  }
0xa0: {  	[sflag:s22] =	ssyncadd.s32 s3;
	_ =	sdelay $0x1  }
0xa1: {  	s23 =	simm.s32 $0x1B8B  }
0xa2: {  	_ =	swait.ge [sflag:s23], $0x1  }
0xa3: {  	[sflag:s23] =	ssyncset.done $0x0  }
0xa4: {  	s25 =	simm.s32 $0x1B8E;
	s24 =	sld [smem:$0x3FFE];
	[sflag:s23] =	ssyncadd.s32 $0xFFFFFFFF  }
0xa5: {  	s26 =	simm.s32 $execute0_lowered;
	[smem:$0x3FD2] =	sst s25  }
0xa6: {  	s4 =	sshll.u32 s26, $0x1;
	_ =	strace $0x80000049;
	[dreg:$0x1] =	wrdreg $0xFFFFFFFF  }
0xa7: {  	s28 =	simm.s32 $_size_execute0_lowered;
	s2 =	sadd.s32 s2, s4;
	[dreg:$0x0] =	wrdreg $0x0  }
0xa8: {  	s4 =	sshll.u32 s28, $0x1;
	[dreg:$0x2] =	wrdreg s2  }
0xa9: {  	[dreg:$0x3] =	wrdreg s4  }
0xaa: {  	[dreg:$0x4] =	wrdreg $0xC0  }
0xab: {  	_ =	task [dreg:s6], $0x5FFFF  }
0xac: {  	[dreg:$0x1] =	wrdreg $0xFFFFFFFF  }
0xad: {  	[dreg:$0x0] =	wrdreg $0x60  }
0xae: {  	[dreg:$0x2] =	wrdreg s24  }
0xaf: {  	[dreg:$0x3] =	wrdreg $0xA  }
0xb0: {  	_ =	task.clear_ibuf [dreg:s6], $0x4FFFF;
	_ =	strace $0x90000049  }
0xb1: {  	s29 =	simm.s32 $0xA;
	_ =	strace $0x8000004B  }
0xb2: {  	_ =	swait.ge [sflag:s29], $0x1  }
0xb3: {  	[sflag:s29] =	ssyncadd.s32 $0xFFFFFFFF  }
0xb4: {  	_ =	strace $0x9000004B  }
0xb5: {  	_ =	sfence  }
0xb6: {  	s30 =	sld [smem:$0x0];
	_ =	sdelay $0x2  }
0xb7: {  	s31 =	sshll.u32 s1, $0xD;
	s1 =	sshrl.u32 s1, $0x2  }
0xb8: {  	s3 =	sand.u32 $0x4000, s31;
	s1 =	sadd.s32 s1, s30  }
0xb9: {  	s0 =	sor.u32 s3, s0;
	s1 =	sshll.u32 s1, $0x11  }
0xba: {  	s0 =	sor.u32 s1, s0  }
0xbb: {  	s0 =	sadd.s32 $0x8F2B, s0  }
0xbc: {  	[sflag:s0] =	ssyncadd.remote.s32 $0x1  }
0xbd: {  	_ =	sfence.sel $0xFFFF  }
0xbe: {  	[dreg:$0x0] =	wrdreg $0xFFFFFFFF;
	(pc) =	sbr.abs _section_cstart, $3  }
0xbf: {  	[dreg:$0x1] =	wrdreg $0xFFFFFFFF  }
0xc0: {  	_ =	task.clear_ibuf [dreg:s6], $0x2FFFF;
	_ =	strace $0x9FFFFFFF  }
0xc1: {  	(tm) =	ssettm $0x7FFFFFFF  }
tec
execute0_lowered:
.L_overlay_start_1:
0x0: {  	(tag) =	ssettag $0x1  }
0x1: {  	s6 =	rddreg [dreg:$0x0];
	s1 =	srdreg.scid  }
0x2: {  	s0 =	rddreg [dreg:$0x1];
	s2 =	simm.s32 $0x0;
	s10 =	simm.s32 $0x18800  }
0x3: {  	s11 =	simm.s32 $0x19600;
	s12 =	simm.s32 $0xC400;
	s5 =	sand.u32 $0x1, s1  }
0x4: {  	s13 =	simm.s32 $0x0;
	s1 =	stileid.u32;
	s3 =	sshll.u32 s5, $0x4  }
0x5: {  	[smem:$0x7FF] =	sst s2;
	s4 =	sadd.s32 $0x1AC00, s6;
	s7 =	sor.u32 s1, s3  }
0x6: {  	_ =	strace $0x8000004A;
	s9 =	ssub.s32 $0x2, s5;
	s8 =	smul.u32 $0x1880, s7  }
0x7: {  	s5 =	sadd.s32 $0xF7400, s6;
	s3 =	sadd.s32 $0x2400, s6;
	s31 =	sshrl.u32 s9, $0x1  }
0x8: {  	s9 =	ssub.s32 s9, s31;
	s8 =	sadd.s32 s8, s6;
	s6 =	smul.u32 $0xC4, s7  }
0x9: {  	v0 =	vimm.f32 $0.0e+00;
	s7 =	sadd.s32 $0xF8E00, s8;
	s8 =	smax.u32 s9, $0x1;
	s9 =	simm.s32 $0x1  }
.LBB2_1:
0xa: {  	[tilespmem:s2], [sflag:$0x1] =	stream.linear.gather [hbm4b:s5+s2], $0xC400, $0x38;
	[tilespmem:$0x1A400] =	vst v63  }
0xb: {  	_ =	swait.ge [sflag:s9], $0xC400  }
0xc: {  	[sflag:s9] =	ssyncset.done $0x0  }
0xd: {  	s14 =	simm.s32 $0x40;
	s15 =	simm.s32 $0x0;
	[sflag:s9] =	ssyncadd.s32 $0xFFFF3C00  }
.LBB2_2:
0xe: {  	p0 =	sne.s32 s14, $0x30FC0;
	[tilespmem:s15+$0xC400] =	vst v0;
	s15 =	smov.u32 s14;
	s14 =	sadd.s32 $0x40, s14  }
.Ltmp0:
0xf: {  	(pc) =	sbr.rel @p0 .LBB2_2-.Ltmp0, $2  }
0x10: {  	_ =	sdelay $0x2  }
0x11: {  	s15 =	sshra.s32 s15, $0x2  }
0x12: {  	[tilespmem:s15+$0xC400] =	vst v0;
	s14 =	simm.s32 $0x0;
	s15 =	simm.s32 $0x0  }
.LBB2_4:
0x13: {  	s16 =	smul.u32 $0x1C, s15;
	_ =	sdelay $0x1  }
0x14: {  	s16 =	sadd.s32 s6, s16  }
0x15: {  	s16 =	sshll.u32 s16, $0x4  }
0x16: {  	s17 =	sadd.s32 s3, s16  }
0x17: {  	[tilespmem:s10], [sflag:$0x1] =	stream.linear.gather [hbm4b:s17+s14], $0xE00, $0x38;
	[tilespmem:$0x1A400] =	vst v63  }
0x18: {  	_ =	swait.ge [sflag:s9], $0xE00  }
0x19: {  	[sflag:s9] =	ssyncset.done $0x0  }
0x1a: {  	s16 =	sadd.s32 s4, s16;
	[sflag:s9] =	ssyncadd.s32 $0xFFFFF200  }
0x1b: {  	[tilespmem:s11], [sflag:$0x1] =	stream.linear.gather [hbm4b:s16+s14], $0xE00, $0x38;
	[tilespmem:$0x1A400] =	vst v63  }
0x1c: {  	_ =	swait.ge [sflag:s9], $0xE00  }
0x1d: {  	[sflag:s9] =	ssyncset.done $0x0  }
0x1e: {  	s17 =	simm.s32 $0x0;
	s16 =	simm.s32 $0x40;
	[sflag:s9] =	ssyncadd.s32 $0xFFFFF200  }
.LBB2_5:
0x1f: {  	p0 =	sne.s32 s16, $0x37C0;
	v1 =	vld [tilespmem:s17+$0x19600];
	_ =	sdelay $0x5  }
0x20: {  	v2 =	vld [tilespmem:s17+$0x18800];
	_ =	sdelay $0x1  }
0x21: {  	v1 =	vld.idx.msk [tilespmem:v1+s2+$0x0], $0xffff;
	_ =	sdelay $0x1  }
.Ltmp1:
0x22: {  	(pc) =	sbr.rel @p0 .LBB2_5-.Ltmp1, $2  }
0x23: {  	_ =	sdelay $0x2  }
0x24: {  	s17 =	sshra.s32 s16, $0x2;
	s16 =	sadd.s32 $0x40, s16;
	[tilespmem:v2+s12+$0x0] =	vst.idx.add.f32.msk $0xffff, v1  }
0x25: {  	v1 =	vld [tilespmem:s17+$0x19600];
	_ =	sdelay $0x4  }
0x26: {  	v2 =	vld [tilespmem:s17+$0x18800];
	_ =	sdelay $0x1  }
0x27: {  	s15 =	sadd.s32 $0x1, s15  }
0x28: {  	p0 =	sne.s32 s15, $0x7;
	v1 =	vld.idx.msk [tilespmem:v1+s2+$0x0], $0xffff  }
.Ltmp2:
0x29: {  	_ = 	snop;
	(pc) =	sbr.rel @p0 .LBB2_4-.Ltmp2, $2  }
0x2a: {  	_ =	sdelay $0x2  }
0x2b: {  	[tilespmem:v2+s12+$0x0] =	vst.idx.add.f32.msk $0xffff, v1  }
0x2c: {  	s13 =	sadd.s32 $0x1, s13  }
0x2d: {  	p0 =	sne.s32 s13, s8  }
.Ltmp3:
0x2e: {  	_ = 	snop;
	(pc) =	sbr.rel @p0 .LBB2_1-.Ltmp3, $4  }
0x2f: {  	[hbm4b:s7+s2] =	stream.linear.scatter [tilespmem:s12], [sflag:$0x1], $0xC400, $0x38;
	[tilespmem:$0x1A400] =	vst v63  }
0x30: {  	_ =	swait.ge [sflag:s9], $0xC400  }
0x31: {  	[sflag:s9] =	ssyncset.done $0x0  }
0x32: {  	[sflag:s9] =	ssyncadd.s32 $0xFFFF3C00  }
0x33: {  	_ =	sfence.sel $0x180000  }
0x34: {  	[bflag:$0x0] =	sbarrier.arrive $0xFFFF  }
0x35: {  	p0 =	sne.s32 s1, $0x0;
	_ =	strace $0x9000004A  }
0x36: {  	s0 =	sadd.s32 @!p0 $0x100000, s0;
	[bflag:$0x2] =	sbarrier.arrive $0xFFFF  }
0x37: {  	[sflag:s0] =	ssyncadd.tile.s32 @!p0 $0x1;
	_ =	shalt  }
.Lfunc_end2:
_tile_overlayer_lowered:
.L_overlay_start_2:
0x38: {  	(tag) =	ssettag $0x2  }
0x39: {  	s0 =	rddreg [dreg:$0x0];
	s2 =	stileid.u32  }
0x3a: {  	s1 =	rddreg [dreg:$0x1];
	p0 =	sne.s32 s2, $0x0  }
0x3b: {  	s3 =	rddreg [dreg:$0x2];
	[bflag:$0x3] =	sbarrier.arrive $0xFFFF;
	s2 =	simm.s32 @!p0 $0x1C01  }
0x3c: {  	[timem:s3], [sflag:s2] =	dma.local @!p0 [hbm:s0], s1  }
0x3d: {  	s0 =	simm.s32 @!p0 $0x1  }
0x3e: {  	_ =	swait.ge @!p0 [sflag:s0], s1  }
0x3f: {  	s1 =	ssub.s32 @!p0 $0x0, s1;
	[sflag:s0] =	ssyncset.done @!p0 $0x0  }
0x40: {  	[sflag:s0] =	ssyncadd.s32 @!p0 s1  }
0x41: {  	[bflag:$0x3] =	sbarrier.arrive $0xFFFF  }
0x42: {  	_ =	shalt  }

// kernel: kernel.8.cloned.1.call-start
scs
__scs_entry_jumppad:
0x0: {  	(pc) =	sbr.rel $0x88, $3  }
0x1: {  	(tag) =	ssettag $0x0;
	lr =	simm.s32 $0x1  }
0x2: {  	[smem:$0x3F9B] =	sst lr;
	_ =	strace $0xD0000000  }
0x3: {  	_ = 	snop  }
0x4: {  	_ = 	snop  }
0x5: {  	_ = 	snop  }
0x6: {  	_ = 	snop  }
0x7: {  	_ = 	snop  }
__scs_overlays_trampoline_lowered:
0x8: {  	[smem:$0x3FAA] =	sst s0  }
0x9: {  	[smem:$0x3FAB] =	sst s1  }
0xa: {  	[smem:$0x3FAC] =	sst s2  }
0xb: {  	[smem:$0x3FAD] =	sst s3  }
0xc: {  	[smem:$0x3FAE] =	sst s4  }
0xd: {  	[smem:$0x3FAF] =	sst s5  }
0xe: {  	[smem:$0x3FB0] =	sst s6  }
0xf: {  	[smem:$0x3FB1] =	sst s7  }
0x10: {  	[smem:$0x3FB2] =	sst s8  }
0x11: {  	[smem:$0x3FB3] =	sst s9;
	s0 =	simm.s32 @!p0 $0x0  }
0x12: {  	s1 =	sld [smem:$0x3F99];
	s0 =	simm.s32 @p0 $0x1  }
0x13: {  	[smem:$0x3FB4] =	sst s0;
	s0 =	simm.s32 @!p1 $0x0  }
0x14: {  	s2 =	sld [smem:$0x3F98];
	s0 =	simm.s32 @p1 $0x1  }
0x15: {  	[smem:$0x3FB5] =	sst s0;
	s0 =	simm.s32 @!p2 $0x0  }
0x16: {  	s3 =	sld [smem:$0x3FDB];
	s0 =	simm.s32 @p2 $0x1  }
0x17: {  	s4 =	simm.s32 $0x1BF5;
	[smem:$0x3FB7] =	sst s0  }
0x18: {  	s0 =	sld [smem:$0x3F9A];
	_ =	swait.ge [sflag:s4], $0x0  }
0x19: {  	s7 =	sld [smem:$0x3F9B]  }
0x1a: {  	s8 =	sadd.s32 $0xFFFFE003, lr  }
0x1b: {  	s9 =	sadd.s32 $0xFFFFFEF7, lr;
	s5 =	simm.s32 $0xFFFFFFFF;
	p2 =	slt.u32 s8, $0xFFFFF086  }
0x1c: {  	p1 =	slt.u32 s9, $0xF7A;
	s5 =	simm.s32 @!p2 $0x0  }
0x1d: {  	s5 =	simm.s32 @p1 $0x1;
	p0 =	seq.s32 s7, s2  }
0x1e: {  	s7 =	smul.u32 @!p0 $0xF7A, s2;
	p2 =	seq.s32 @!p0 s5, $0x0  }
0x1f: {  	s9 =	smul.u32 $0xF7A, s1;
	s8 =	simm.s32 @!p0 $0x1BF5;
	p2 =	por !p2, p0  }
0x20: {  	[sflag:s8] =	ssyncset.s32 @!p0 $0xFFFFF086;
	s6 =	sadd.s32 @!p0 s3, s7;
	s7 =	simm.s32 @!p0 $0x108  }
0x21: {  	s3 =	sadd.s32 s3, s9;
	s6 =	sadd.s32 @!p0 $0x88, s6;
	s7 =	simm.s32 @p2 $0x1082  }
0x22: {  	[simem:s7], [sflag:s8] =	dma.local @!p0 [hbm:s6], $0xF7A  }
0x23: {  	s9 =	sor.u32 $0xD0000000, s2;
	s6 =	simm.s32 $0x108;
	_ =	swait.ge @!p0 [sflag:s8], $0x0  }
0x24: {  	s3 =	sadd.s32 $0x88, s3;
	s6 =	simm.s32 @!p1 $0x1082;
	[sflag:s4] =	ssyncset.s32 $0xFFFFF086  }
0x25: {  	[simem:s6], [sflag:s4] =	dma.local [hbm:s3], $0xF7A  }
0x26: {  	[smem:$0x3F9B] =	sst s1;
	(tag) =	ssettag s2;
	_ =	strace s9  }
0x27: {  	s1 =	sld [smem:$0x3FAB]  }
0x28: {  	s2 =	sld [smem:$0x3FAC]  }
0x29: {  	s4 =	sld [smem:$0x3FAE]  }
0x2a: {  	p0 =	seq.s32 s5, $0x0;
	s5 =	sld [smem:$0x3FAF]  }
0x2b: {  	s6 =	sld [smem:$0x3FB0]  }
0x2c: {  	s7 =	sld [smem:$0x3FB1]  }
0x2d: {  	s3 =	simm.s32 $0x108;
	s8 =	sld [smem:$0x3FB2]  }
0x2e: {  	s3 =	simm.s32 @!p0 $0x1082;
	s9 =	sld [smem:$0x3FB3]  }
0x2f: {  	lr =	sadd.s32 s0, s3;
	s0 =	sld [smem:$0x3FAA]  }
0x30: {  	s3 =	sld [smem:$0x3FAD]  }
0x31: {  	[smem:$0x3FB6] =	sst s10  }
0x32: {  	s10 =	sld [smem:$0x3FB4];
	_ =	sdelay $0x3  }
0x33: {  	p0 =	seq.s32 s10, $0x1;
	s10 =	sld [smem:$0x3FB6];
	_ =	sdelay $0x3  }
0x34: {  	[smem:$0x3FB6] =	sst s10  }
0x35: {  	s10 =	sld [smem:$0x3FB5];
	_ =	sdelay $0x3  }
0x36: {  	p1 =	seq.s32 s10, $0x1;
	s10 =	sld [smem:$0x3FB6];
	_ =	sdelay $0x3  }
0x37: {  	[smem:$0x3FB6] =	sst s10  }
0x38: {  	s10 =	sld [smem:$0x3FB7]  }
0x39: {  	_ = 	snop;
	(pc) =	sbr.ind lr, $3  }
0x3a: {  	_ = 	snop  }
0x3b: {  	_ = 	snop  }
0x3c: {  	p2 =	seq.s32 s10, $0x1;
	s10 =	sld [smem:$0x3FB6]  }
0x3d: {  	_ =	shalt  }
0x3e: {  	_ =	shalt  }
0x3f: {  	_ =	shalt  }
0x40: {  	_ =	shalt  }
0x41: {  	_ =	shalt  }
0x42: {  	_ =	shalt  }
0x43: {  	_ =	shalt  }
0x44: {  	_ =	shalt  }
0x45: {  	_ =	shalt  }
0x46: {  	_ =	shalt  }
0x47: {  	_ =	shalt  }
0x48: {  	_ =	shalt  }
0x49: {  	_ =	shalt  }
0x4a: {  	_ =	shalt  }
0x4b: {  	_ =	shalt  }
0x4c: {  	_ =	shalt  }
0x4d: {  	_ =	shalt  }
0x4e: {  	_ =	shalt  }
0x4f: {  	_ =	shalt  }
0x50: {  	_ =	shalt  }
0x51: {  	_ =	shalt  }
0x52: {  	_ =	shalt  }
0x53: {  	_ =	shalt  }
0x54: {  	_ =	shalt  }
0x55: {  	_ =	shalt  }
0x56: {  	_ =	shalt  }
0x57: {  	_ =	shalt  }
0x58: {  	_ =	shalt  }
0x59: {  	_ =	shalt  }
0x5a: {  	_ =	shalt  }
0x5b: {  	_ =	shalt  }
0x5c: {  	_ =	shalt  }
0x5d: {  	_ =	shalt  }
0x5e: {  	_ =	shalt  }
0x5f: {  	_ =	shalt  }
0x60: {  	_ =	shalt  }
0x61: {  	_ =	shalt  }
0x62: {  	_ =	shalt  }
0x63: {  	_ =	shalt  }
0x64: {  	_ =	shalt  }
0x65: {  	_ =	shalt  }
0x66: {  	_ =	shalt  }
0x67: {  	_ =	shalt  }
0x68: {  	_ =	shalt  }
0x69: {  	_ =	shalt  }
0x6a: {  	_ =	shalt  }
0x6b: {  	_ =	shalt  }
0x6c: {  	_ =	shalt  }
0x6d: {  	_ =	shalt  }
0x6e: {  	_ =	shalt  }
0x6f: {  	_ =	shalt  }
0x70: {  	_ =	shalt  }
0x71: {  	_ =	shalt  }
0x72: {  	_ =	shalt  }
0x73: {  	_ =	shalt  }
0x74: {  	_ =	shalt  }
0x75: {  	_ =	shalt  }
0x76: {  	_ =	shalt  }
0x77: {  	_ =	shalt  }
0x78: {  	_ =	shalt  }
0x79: {  	_ =	shalt  }
0x7a: {  	_ =	shalt  }
0x7b: {  	_ =	shalt  }
0x7c: {  	_ =	shalt  }
0x7d: {  	_ =	shalt  }
0x7e: {  	_ =	shalt  }
0x7f: {  	_ =	shalt  }
0x80: {  	_ =	shalt  }
0x81: {  	_ =	shalt  }
0x82: {  	_ =	shalt  }
0x83: {  	_ =	shalt  }
0x84: {  	_ =	shalt  }
0x85: {  	_ =	shalt  }
0x86: {  	_ =	shalt  }
0x87: {  	_ =	shalt  }
.Lfunc_end0:
.L_simem_size_0:
called_computation_lowered:
.L_overlay_start_0:
0x88: {  	s2 =	sld [smem:$0x3FD9]  }
0x89: {  	s3 =	sld [smem:$0x3FFE];
	_ =	sdelay $0x1  }
0x8a: {  	s1 =	srdreg.scid  }
0x8b: {  	s0 =	sand.u32 $0x1, s1  }
0x8c: {  	s16 =	sshll.u32 s0, $0xA;
	s2 =	sadd.s32 s3, s2  }
0x8d: {  	s2 =	sadd.s32 s2, s16  }
0x8e: {  	[smem:$0x3FC2] =	sst s2  }
0x8f: {  	_ = 	snop  }
0x90: {  	(tm) =	ssettm $0x1  }
0x91: {  	s17 =	sld [smem:$0x3FFB];
	_ =	sdelay $0x3  }
0x92: {  	_ =	strace s17  }
0x93: {  	s2 =	sld [smem:$0x3FFC];
	_ =	sdelay $0x3  }
0x94: {  	_ =	strace s2  }
0x95: {  	s2 =	sld [smem:$0x3FFD];
	_ =	sdelay $0x3  }
0x96: {  	_ =	strace s2  }
0x97: {  	_ =	strace $0x8FFFFFFF  }
0x98: {  	s18 =	sld [smem:$0x3FDB];
	_ =	sdelay $0x1  }
0x99: {  	s19 =	simm.s32 $_scs_section_size  }
0x9a: {  	s4 =	simm.s32 $_size__tile_overlayer_lowered;
	s5 =	simm.s32 $_tile_overlayer_lowered  }
0x9b: {  	s22 =	simm.s32 $0x1BFF;
	s21 =	sshll.u32 s5, $0x1;
	s2 =	sadd.s32 s19, s18  }
0x9c: {  	s6 =	simm.s32 $0x0;
	s20 =	sshll.u32 s4, $0x1;
	s4 =	sadd.s32 s21, s2  }
0x9d: {  	[timem:s6], [sflag:s22] =	dma.local [hbm:s4], s20  }
0x9e: {  	_ =	swait.ge [sflag:s22], s20  }
0x9f: {  	s3 =	ssub.s32 $0x0, s20;
	[sflag:s22] =	ssyncset.done $0x0  }
0xa0: {  	[sflag:s22] =	ssyncadd.s32 s3;
	_ =	sdelay $0x1  }
0xa1: {  	s23 =	simm.s32 $0x1B8B  }
0xa2: {  	_ =	swait.ge [sflag:s23], $0x1  }
0xa3: {  	[sflag:s23] =	ssyncset.done $0x0  }
0xa4: {  	s25 =	simm.s32 $0x1B8E;
	s24 =	sld [smem:$0x3FFE];
	[sflag:s23] =	ssyncadd.s32 $0xFFFFFFFF  }
0xa5: {  	s26 =	simm.s32 $execute0_lowered;
	[smem:$0x3FD2] =	sst s25  }
0xa6: {  	s4 =	sshll.u32 s26, $0x1;
	_ =	strace $0x80000046;
	[dreg:$0x1] =	wrdreg $0xFFFFFFFF  }
0xa7: {  	s28 =	simm.s32 $_size_execute0_lowered;
	s2 =	sadd.s32 s2, s4;
	[dreg:$0x0] =	wrdreg $0x0  }
0xa8: {  	s4 =	sshll.u32 s28, $0x1;
	[dreg:$0x2] =	wrdreg s2  }
0xa9: {  	[dreg:$0x3] =	wrdreg s4  }
0xaa: {  	[dreg:$0x4] =	wrdreg $0xC0  }
0xab: {  	_ =	task [dreg:s6], $0x5FFFF  }
0xac: {  	[dreg:$0x1] =	wrdreg $0xFFFFFFFF  }
0xad: {  	[dreg:$0x0] =	wrdreg $0x60  }
0xae: {  	[dreg:$0x2] =	wrdreg s24  }
0xaf: {  	[dreg:$0x3] =	wrdreg $0x9  }
0xb0: {  	_ =	task.clear_ibuf [dreg:s6], $0x4FFFF;
	_ =	strace $0x90000046  }
0xb1: {  	s29 =	simm.s32 $0x9;
	_ =	strace $0x80000048  }
0xb2: {  	_ =	swait.ge [sflag:s29], $0x1  }
0xb3: {  	[sflag:s29] =	ssyncadd.s32 $0xFFFFFFFF  }
0xb4: {  	_ =	strace $0x90000048  }
0xb5: {  	_ =	sfence  }
0xb6: {  	s30 =	sld [smem:$0x0];
	_ =	sdelay $0x2  }
0xb7: {  	s31 =	sshll.u32 s1, $0xD;
	s1 =	sshrl.u32 s1, $0x2  }
0xb8: {  	s3 =	sand.u32 $0x4000, s31;
	s1 =	sadd.s32 s1, s30  }
0xb9: {  	s0 =	sor.u32 s3, s0;
	s1 =	sshll.u32 s1, $0x11  }
0xba: {  	s0 =	sor.u32 s1, s0  }
0xbb: {  	s0 =	sadd.s32 $0x8F2B, s0  }
0xbc: {  	[sflag:s0] =	ssyncadd.remote.s32 $0x1  }
0xbd: {  	_ =	sfence.sel $0xFFFF  }
0xbe: {  	[dreg:$0x0] =	wrdreg $0xFFFFFFFF;
	(pc) =	sbr.abs _section_cstart, $3  }
0xbf: {  	[dreg:$0x1] =	wrdreg $0xFFFFFFFF  }
0xc0: {  	_ =	task.clear_ibuf [dreg:s6], $0x2FFFF;
	_ =	strace $0x9FFFFFFF  }
0xc1: {  	(tm) =	ssettm $0x7FFFFFFF  }
tec
execute0_lowered:
.L_overlay_start_1:
0x0: {  	(tag) =	ssettag $0x1  }
0x1: {  	s0 =	srdreg.scid  }
0x2: {  	s3 =	sand.u32 $0x1, s0  }
0x3: {  	s4 =	rddreg [dreg:$0x0];
	s0 =	stileid.u32;
	s1 =	sshll.u32 s3, $0x4  }
0x4: {  	s2 =	simm.s32 $0x0;
	s8 =	simm.s32 $0x0;
	s5 =	sor.u32 s0, s1  }
0x5: {  	[smem:$0x7FF] =	sst s2;
	s3 =	ssub.s32 $0x2, s3;
	s6 =	smul.u32 $0xC40, s5  }
0x6: {  	s1 =	rddreg [dreg:$0x1];
	s7 =	sshrl.u32 s3, $0x1;
	s5 =	smul.u32 $0x1880, s5  }
0x7: {  	_ =	strace $0x80000047;
	s31 =	ssub.s32 s3, s7;
	s7 =	simm.s32 $0x1  }
0x8: {  	s6 =	sadd.s32 s6, s4;
	s4 =	sadd.s32 s5, s4;
	s5 =	smax.u32 s31, $0x1  }
0x9: {  	v0 =	vimm.f32 $0.0e+00;
	v1 =	vimm.f32 $1.000000000e+00;
	s3 =	sadd.s32 $0x1AC00, s6;
	s4 =	sadd.s32 $0x33400, s4;
	s6 =	simm.s32 $0xC400  }
.LBB2_1:
0xa: {  	s9 =	simm.s32 $0x40;
	s10 =	simm.s32 $0x0  }
.LBB2_2:
0xb: {  	p0 =	sne.s32 s9, $0x30FC0;
	[tilespmem:s10+$0x0] =	vst v0;
	s10 =	smov.u32 s9;
	s9 =	sadd.s32 $0x40, s9  }
.Ltmp0:
0xc: {  	(pc) =	sbr.rel @p0 .LBB2_2-.Ltmp0, $2  }
0xd: {  	_ =	sdelay $0x2  }
0xe: {  	s10 =	sshra.s32 s10, $0x2  }
0xf: {  	[tilespmem:s10+$0x0] =	vst v0;
	s9 =	simm.s32 $0x0  }
0x10: {  	[tilespmem:s6], [sflag:$0x1] =	stream.linear.gather [hbm4b:s3+s9], $0x6200, $0x38;
	[tilespmem:$0x12600] =	vst v63  }
0x11: {  	_ =	swait.ge [sflag:s7], $0x6200  }
0x12: {  	[sflag:s7] =	ssyncset.done $0x0  }
0x13: {  	s10 =	simm.s32 $0x0;
	s9 =	simm.s32 $0x40;
	[sflag:s7] =	ssyncadd.s32 $0xFFFF9E00  }
.LBB2_4:
0x14: {  	p0 =	sne.s32 s9, $0x187C0;
	v2 =	vld [tilespmem:s10+$0xC400];
	_ =	sdelay $0x3  }
.Ltmp1:
0x15: {  	(pc) =	sbr.rel @p0 .LBB2_4-.Ltmp1, $2  }
0x16: {  	_ =	sdelay $0x2  }
0x17: {  	s10 =	sshra.s32 s9, $0x2;
	s9 =	sadd.s32 $0x40, s9;
	[tilespmem:v2+s2+$0x0] =	vst.idx.add.f32.msk $0xffff, v1  }
0x18: {  	v2 =	vld [tilespmem:s10+$0xC400];
	_ =	sdelay $0x5  }
0x19: {  	s8 =	sadd.s32 $0x1, s8  }
0x1a: {  	p0 =	sne.s32 s8, s5  }
.Ltmp2:
0x1b: {  	[tilespmem:v2+s2+$0x0] =	vst.idx.add.f32.msk $0xffff, v1;
	(pc) =	sbr.rel @p0 .LBB2_1-.Ltmp2, $4  }
0x1c: {  	[hbm4b:s4+s2] =	stream.linear.scatter [tilespmem:s2], [sflag:$0x1], $0xC400, $0x38;
	[tilespmem:$0x12600] =	vst v63  }
0x1d: {  	_ =	swait.ge [sflag:s7], $0xC400  }
0x1e: {  	[sflag:s7] =	ssyncset.done $0x0  }
0x1f: {  	[sflag:s7] =	ssyncadd.s32 $0xFFFF3C00  }
0x20: {  	_ =	sfence.sel $0x180000  }
0x21: {  	[bflag:$0x0] =	sbarrier.arrive $0xFFFF  }
0x22: {  	p0 =	sne.s32 s0, $0x0;
	_ =	strace $0x90000047  }
0x23: {  	s0 =	sadd.s32 @!p0 $0x100000, s1;
	[bflag:$0x2] =	sbarrier.arrive $0xFFFF  }
0x24: {  	[sflag:s0] =	ssyncadd.tile.s32 @!p0 $0x1;
	_ =	shalt  }
.Lfunc_end2:
_tile_overlayer_lowered:
.L_overlay_start_2:
0x25: {  	(tag) =	ssettag $0x2  }
0x26: {  	s0 =	rddreg [dreg:$0x0];
	s2 =	stileid.u32  }
0x27: {  	s1 =	rddreg [dreg:$0x1];
	p0 =	sne.s32 s2, $0x0  }
0x28: {  	s3 =	rddreg [dreg:$0x2];
	[bflag:$0x3] =	sbarrier.arrive $0xFFFF;
	s2 =	simm.s32 @!p0 $0x1C01  }
0x29: {  	[timem:s3], [sflag:s2] =	dma.local @!p0 [hbm:s0], s1  }
0x2a: {  	s0 =	simm.s32 @!p0 $0x1  }
0x2b: {  	_ =	swait.ge @!p0 [sflag:s0], s1  }
0x2c: {  	s1 =	ssub.s32 @!p0 $0x0, s1;
	[sflag:s0] =	ssyncset.done @!p0 $0x0  }
0x2d: {  	[sflag:s0] =	ssyncadd.s32 @!p0 s1  }
0x2e: {  	[bflag:$0x3] =	sbarrier.arrive $0xFFFF  }
0x2f: {  	_ =	shalt  }

</sc_bundles>
